<compile_context>
chip_gen: v7x
topology: tpu7x:2x2x1
jax: 0.10.2.dev20260603
libtpu: 0.0.44.dev20260713+nightly
codegen_flags: <defaults>
</compile_context>

<pallas_src>
import functools

import jax
import jax.numpy as jnp
from jax import lax
from jax.experimental import pallas as pl
from jax.experimental.pallas import tpu as pltpu, tpu_sc as plsc

N = 10000
E = 320000
D = 128
R = 64

NPAD = 10112
NC = 2
NS = 16
NW = NC * NS
EW = E // NW
BLK = 80
NBLK = EW // BLK
SEGB = 25
SEG = NPAD // NS
TCB = NPAD


def _tc_pre_body(x_ref, wn_ref, wr_ref, rt_ref, bn_ref, br_ref, a3_ref,
                 mnode_ref, ssrc_ref, mrel_ref, srel_ref):
    xb = x_ref[...]
    mnode_ref[...] = (
        jnp.dot(xb, wn_ref[...], preferred_element_type=jnp.float32)
        + bn_ref[...]
    )
    a = a3_ref[...]
    ssrc_ref[...] = lax.dot_general(a[0:1, :], xb, (((1,), (1,)), ((), ())),
                                    preferred_element_type=jnp.float32)
    rt = rt_ref[...]
    mrel_ref[...] = (
        jnp.dot(rt, wr_ref[...], preferred_element_type=jnp.float32)
        + br_ref[...]
    )
    srel_ref[...] = lax.dot_general(a[2:3, :], rt, (((1,), (1,)), ((), ())),
                                    preferred_element_type=jnp.float32)


def _tc_pre(x_pad, W_node_w, W_rel_w, rel_table, b_node, b_rel, attn3):
    return pl.pallas_call(
        _tc_pre_body,
        out_shape=[
            jax.ShapeDtypeStruct((NPAD, D), jnp.float32),
            jax.ShapeDtypeStruct((1, NPAD), jnp.float32),
            jax.ShapeDtypeStruct((R, D), jnp.float32),
            jax.ShapeDtypeStruct((1, R), jnp.float32),
        ],
    )(x_pad, W_node_w, W_rel_w, rel_table, b_node, b_rel, attn3)


def _sc_body(mnode_hbm, ssrc_hbm, srel_hbm, mrel_hbm, src_hbm, dst_hbm,
             rel_hbm, acc_hbm, den_hbm,
             ssrc_v, srel_v, sidx_v, didx_v, ridx_v, dscat_v, w_v,
             rowsg_v, rows2_v, den_v, acc_sp, semn, semr):
    cid = lax.axis_index("c")
    sid = lax.axis_index("s")
    wid = cid * NS + sid

    pltpu.sync_copy(ssrc_hbm, ssrc_v)
    pltpu.sync_copy(srel_hbm, srel_v)

    zeros16 = jnp.zeros((16,), jnp.float32)

    def _zero_rows(r, carry):
        for c in range(D // 16):
            rowsg_v[r, pl.ds(c * 16, 16)] = zeros16
        return carry

    lax.fori_loop(0, BLK, _zero_rows, 0)

    def _zero_den(k, carry):
        den_v[pl.ds(k * 16, 16)] = zeros16
        return carry

    lax.fori_loop(0, NPAD // 16, _zero_den, 0)

    def _zero_seg(k, carry):
        pltpu.sync_copy(rowsg_v, acc_sp.at[pl.ds(sid * SEG + k * BLK, BLK)])
        return carry

    lax.fori_loop(0, SEG // BLK, _zero_seg, 0)
    rem = SEG - (SEG // BLK) * BLK
    if rem:
        pltpu.sync_copy(rowsg_v.at[pl.ds(0, rem)],
                        acc_sp.at[pl.ds(sid * SEG + SEG - rem, rem)])
    plsc.subcore_barrier()

    def _segment(seg, carry0):
        base = pl.multiple_of(wid * EW + seg * (SEGB * BLK), 16)
        pltpu.sync_copy(src_hbm.at[pl.ds(base, SEGB * BLK)], sidx_v)
        pltpu.sync_copy(dst_hbm.at[pl.ds(base, SEGB * BLK)], didx_v)
        pltpu.sync_copy(rel_hbm.at[pl.ds(base, SEGB * BLK)], ridx_v)

        def _block(q, carry):
            off = pl.multiple_of(q * BLK, 16)
            cpn = pltpu.async_copy(mnode_hbm.at[sidx_v.at[pl.ds(off, BLK)]],
                                   rowsg_v, semn)
            cpr = pltpu.async_copy(mrel_hbm.at[ridx_v.at[pl.ds(off, BLK)]],
                                   rows2_v, semr)

            for j in range(BLK // 16):
                s16 = sidx_v[pl.ds(off + j * 16, 16)]
                d16 = didx_v[pl.ds(off + j * 16, 16)]
                r16 = ridx_v[pl.ds(off + j * 16, 16)]
                w16 = jnp.exp(plsc.load_gather(ssrc_v, [s16])
                              + plsc.load_gather(srel_v, [r16]))
                w_v[pl.ds(j * 16, 16)] = w16
                dscat_v[pl.ds(j * 16, 16)] = d16
                plsc.addupdate_scatter(den_v, [d16], w16)

            cpn.wait()
            cpr.wait()

            @plsc.parallel_loop(0, BLK, step=1, unroll=4)
            def _edge(l):
                g = pl.multiple_of((l >> 4) * 16, 16)
                w16 = w_v[pl.ds(g, 16)]
                wb = jnp.take_along_axis(
                    w16, lax.broadcast_in_dim(l & 15, (16,), ()), axis=0,
                    mode="promise_in_bounds")
                for c in range(D // 16):
                    rowc = rowsg_v[l, pl.ds(c * 16, 16)]
                    mrc = rows2_v[l, pl.ds(c * 16, 16)]
                    rowsg_v[l, pl.ds(c * 16, 16)] = (rowc + mrc) * wb

            pltpu.sync_copy(rowsg_v, acc_sp.at[dscat_v], add=True)
            return carry

        lax.fori_loop(0, SEGB, _block, 0)
        return carry0

    lax.fori_loop(0, NBLK // SEGB, _segment, 0)
    plsc.subcore_barrier()

    pltpu.sync_copy(acc_sp.at[pl.ds(sid * SEG, SEG)], acc_hbm.at[cid, sid])
    pltpu.sync_copy(den_v, den_hbm.at[cid, sid])


def _sc_edge_pass(m_node, s_src, s_rel, m_rel, src, dst, rel):
    mesh = plsc.VectorSubcoreMesh(core_axis_name="c", subcore_axis_name="s")
    call = functools.partial(
        pl.kernel,
        mesh=mesh,
        compiler_params=pltpu.CompilerParams(needs_layout_passes=False),
        out_type=[
            jax.ShapeDtypeStruct((NC, NS, SEG, D), jnp.float32),
            jax.ShapeDtypeStruct((NC, NS, NPAD), jnp.float32),
        ],
        scratch_types=[
            pltpu.VMEM((NPAD,), jnp.float32),
            pltpu.VMEM((R,), jnp.float32),
            pltpu.VMEM((SEGB * BLK,), jnp.int32),
            pltpu.VMEM((SEGB * BLK,), jnp.int32),
            pltpu.VMEM((SEGB * BLK,), jnp.int32),
            pltpu.VMEM((BLK,), jnp.int32),
            pltpu.VMEM((BLK,), jnp.float32),
            pltpu.VMEM((BLK, D), jnp.float32),
            pltpu.VMEM((BLK, D), jnp.float32),
            pltpu.VMEM((NPAD,), jnp.float32),
            pltpu.VMEM_SHARED((NPAD, D), jnp.float32),
            pltpu.SemaphoreType.DMA,
            pltpu.SemaphoreType.DMA,
        ],
    )(_sc_body)
    return call(m_node, s_src, s_rel, m_rel, src, dst, rel)


def _tc_combine_body(acc_ref, den_ref, x_ref, out_ref):
    a = acc_ref[...]
    msg = a[0] + a[1]
    den = jnp.sum(den_ref[...], axis=0)[:, None]
    out_ref[...] = jnp.where(den > 0.0, msg / den, x_ref[...])


def _tc_combine(acc, den, x_pad):
    return pl.pallas_call(
        _tc_combine_body,
        out_shape=jax.ShapeDtypeStruct((NPAD, D), jnp.float32),
    )(acc, den, x_pad)


def kernel(x, rel_table, edge_index, edge_rel, W_node_w, W_node_b, W_rel_w,
           W_rel_b, attn_w, attn_b):
    x_pad = jnp.pad(x, ((0, NPAD - N), (0, 0)))
    attn3 = attn_w.reshape(3, D)
    b_node = W_node_b.reshape(1, D)
    b_rel = W_rel_b.reshape(1, D)

    m_node, s_src, m_rel, s_rel = _tc_pre(
        x_pad, W_node_w, W_rel_w, rel_table, b_node, b_rel, attn3)

    acc, den = _sc_edge_pass(m_node, s_src.reshape(NPAD), s_rel.reshape(R),
                             m_rel, edge_index[0], edge_index[1], edge_rel)

    out_pad = _tc_combine(acc.reshape(NC, NPAD, D), den.reshape(NW, NPAD),
                          x_pad)
    return out_pad[:N]

# --- scband reference (transcript-rebuilt; emitter-appended) ---
"""Pipeline reference for scband-relational-gatlayer-22840636080684 (READ-ONLY COPY).

The authoritative reference and input builder live on the scoring server;
editing this copy changes nothing except your own understanding.
"""

import jax, jax.numpy as jnp
import numpy as np

N = 10000
E = 320000
D = 128
R = 64


def setup_inputs(seed: int = 0) -> dict:
    key = jax.random.key(seed)
    ks = jax.random.split(key, 10)
    x = jax.random.normal(ks[0], (N, D), dtype=jnp.float32)
    rel_table = jax.random.normal(ks[1], (R, D), dtype=jnp.float32)
    edge_index = jax.random.randint(ks[2], (2, E), 0, N, dtype=jnp.int32)
    edge_rel = jax.random.randint(ks[3], (E,), 0, R, dtype=jnp.int32)
    W_node_w = jax.random.normal(ks[4], (D, D), dtype=jnp.float32) * 0.05
    W_node_b = jax.random.normal(ks[5], (D,), dtype=jnp.float32) * 0.05
    W_rel_w = jax.random.normal(ks[6], (D, D), dtype=jnp.float32) * 0.05
    W_rel_b = jax.random.normal(ks[7], (D,), dtype=jnp.float32) * 0.05
    attn_w = jax.random.normal(ks[8], (3 * D,), dtype=jnp.float32) * 0.05
    attn_b = jax.random.normal(ks[9], (), dtype=jnp.float32) * 0.05
    return {"x": x, "rel_table": rel_table, "edge_index": edge_index, "edge_rel": edge_rel,
            "W_node_w": W_node_w, "W_node_b": W_node_b, "W_rel_w": W_rel_w, "W_rel_b": W_rel_b,
            "attn_w": attn_w, "attn_b": attn_b}


def reference(x, rel_table, edge_index, edge_rel, W_node_w, W_node_b, W_rel_w, W_rel_b, attn_w, attn_b):
    src = edge_index[0]
    dst = edge_index[1]
    h_src = x[src]                      # gather [E, D]
    h_tgt = x[dst]                      # gather [E, D]
    h_rel = rel_table[edge_rel]         # gather [E, D]
    # per-edge attention score: attn(cat([h_src, h_tgt, h_rel]))
    attn_in = jnp.concatenate([h_src, h_tgt, h_rel], axis=1)   # [E, 3D]
    scores = attn_in @ attn_w + attn_b                          # [E]
    # per-edge message: W_node(h_src) + W_rel(h_rel)
    messages = (h_src @ W_node_w + W_node_b) + (h_rel @ W_rel_w + W_rel_b)  # [E, D]
    # softmax over incoming edges of each dst node (segment softmax)
    seg_max = jax.ops.segment_max(scores, dst, num_segments=N)  # [N]
    e = jnp.exp(scores - seg_max[dst])                           # [E]
    denom = jax.ops.segment_sum(e, dst, num_segments=N)         # [N]
    alpha = e / denom[dst]                                       # [E]
    agg = jax.ops.segment_sum(alpha[:, None] * messages, dst, num_segments=N)  # [N, D]
    # nodes with no predecessors keep their old embedding
    deg = jax.ops.segment_sum(jnp.ones((E,), dtype=jnp.float32), dst, num_segments=N)
    out = jnp.where(deg[:, None] > 0, agg, x)
    return out

if __name__ == "__main__":
    import jax
    _d = setup_inputs()
    print(jax.jit(kernel)(*tuple(_d.values())))

</pallas_src>

<mosaic_0001>
#map = affine_map<(d0, d1) -> (0, 0)>
#map1 = affine_map<(d0, d1) -> (0)>
#map2 = affine_map<(d0, d1) -> (0, 0, 0, 0)>
#map3 = affine_map<(d0, d1) -> (0, 0, 0)>
module attributes {stable_mosaic.version = 14 : i64} {
  func.func @_sc_body(%arg0: i32, %arg1: i32, %arg2: memref<10112x128xf32, #tpu.memory_space<hbm>>, %arg3: memref<10112xf32, #tpu.memory_space<hbm>>, %arg4: memref<64xf32, #tpu.memory_space<hbm>>, %arg5: memref<64x128xf32, #tpu.memory_space<hbm>>, %arg6: memref<320000xi32, #tpu.memory_space<hbm>>, %arg7: memref<320000xi32, #tpu.memory_space<hbm>>, %arg8: memref<320000xi32, #tpu.memory_space<hbm>>, %arg9: memref<2x16x632x128xf32, #tpu.memory_space<hbm>>, %arg10: memref<2x16x10112xf32, #tpu.memory_space<hbm>>, %arg11: memref<10112xf32, #tpu.memory_space<vmem>>, %arg12: memref<64xf32, #tpu.memory_space<vmem>>, %arg13: memref<2000xi32, #tpu.memory_space<vmem>>, %arg14: memref<2000xi32, #tpu.memory_space<vmem>>, %arg15: memref<2000xi32, #tpu.memory_space<vmem>>, %arg16: memref<80xi32, #tpu.memory_space<vmem>>, %arg17: memref<80xf32, #tpu.memory_space<vmem>>, %arg18: memref<80x128xf32, #tpu.memory_space<vmem>>, %arg19: memref<80x128xf32, #tpu.memory_space<vmem>>, %arg20: memref<10112xf32, #tpu.memory_space<vmem>>, %arg21: memref<10112x128xf32, #tpu.memory_space<vmem_shared>>, %arg22: memref<!tpu.dma_semaphore, #tpu.memory_space<semaphore_mem>>, %arg23: memref<!tpu.dma_semaphore, #tpu.memory_space<semaphore_mem>>) attributes {dimension_semantics = [#tpu.dimension_semantics<core_parallel>, #tpu.dimension_semantics<subcore_parallel>], iteration_bounds = array<i64: 2, 16>, scalar_prefetch = 0 : i64, scratch_operands = 13 : i64, tpu.core_type = #tpu.core_type<sc_vector_subcore>, window_params = [{transform_indices = #map}, {transform_indices = #map1}, {transform_indices = #map1}, {transform_indices = #map}, {transform_indices = #map1}, {transform_indices = #map1}, {transform_indices = #map1}, {transform_indices = #map2}, {transform_indices = #map3}]} {
    %mul3A = arith.constant 16 : i32
    %mul3A_0 = arith.muli %arg0, %mul3A : i32
    %add3A = arith.addi %mul3A_0, %arg1 : i32
    "tpu.region"() ({
      %run_scoped3A = tpu.sem_alloc : memref<!tpu.dma_semaphore, #tpu.memory_space<semaphore_mem>>
      tpu.enqueue_dma source(%arg3 : memref<10112xf32, #tpu.memory_space<hbm>>) target(%arg11 : memref<10112xf32, #tpu.memory_space<vmem>>) target_semaphore(%run_scoped3A : memref<!tpu.dma_semaphore, #tpu.memory_space<semaphore_mem>>)
      tpu.wait_dma2 semaphore(%run_scoped3A : memref<!tpu.dma_semaphore, #tpu.memory_space<semaphore_mem>>) src(%arg3 : memref<10112xf32, #tpu.memory_space<hbm>>) dst(%arg11 : memref<10112xf32, #tpu.memory_space<vmem>>)
      tpu.yield
    }) : () -> ()
    "tpu.region"() ({
      %run_scoped3A = tpu.sem_alloc : memref<!tpu.dma_semaphore, #tpu.memory_space<semaphore_mem>>
      tpu.enqueue_dma source(%arg4 : memref<64xf32, #tpu.memory_space<hbm>>) target(%arg12 : memref<64xf32, #tpu.memory_space<vmem>>) target_semaphore(%run_scoped3A : memref<!tpu.dma_semaphore, #tpu.memory_space<semaphore_mem>>)
      tpu.wait_dma2 semaphore(%run_scoped3A : memref<!tpu.dma_semaphore, #tpu.memory_space<semaphore_mem>>) src(%arg4 : memref<64xf32, #tpu.memory_space<hbm>>) dst(%arg12 : memref<64xf32, #tpu.memory_space<vmem>>)
      tpu.yield
    }) : () -> ()
    %broadcast_in_dim3A = arith.constant 0.000000e+00 : f32
    %broadcast_in_dim3A_1 = vector.broadcast %broadcast_in_dim3A : f32 to vector<16xf32>
    %scan3A = arith.constant 0 : i32
    %scan3A_2 = arith.constant 0 : i32
    %scan3A_3 = arith.constant 80 : i32
    %scan3A_4 = arith.addi %scan3A_2, %scan3A_3 : i32
    %scan3A_5 = arith.constant 1 : i32
    scf.for %scan3A_33 = %scan3A_2 to %scan3A_4 step %scan3A_5  : i32 {
      %swap3A = arith.index_cast %scan3A_33 : i32 to index
      %swap3A_34 = arith.constant 0 : index
      %swap3A_35 = tpu.vector_load %arg18[%swap3A, %swap3A_34] {strides = array<i32>} : memref<80x128xf32, #tpu.memory_space<vmem>>, vector<16xf32>,
      tpu.vector_store %arg18[%swap3A, %swap3A_34], %broadcast_in_dim3A_1 {strides = array<i32>} : memref<80x128xf32, #tpu.memory_space<vmem>>, vector<16xf32>,
      %swap3A_36 = arith.index_cast %scan3A_33 : i32 to index
      %swap3A_37 = arith.constant 16 : index
      %swap3A_38 = tpu.vector_load %arg18[%swap3A_36, %swap3A_37] {strides = array<i32>} : memref<80x128xf32, #tpu.memory_space<vmem>>, vector<16xf32>,
      tpu.vector_store %arg18[%swap3A_36, %swap3A_37], %broadcast_in_dim3A_1 {strides = array<i32>} : memref<80x128xf32, #tpu.memory_space<vmem>>, vector<16xf32>,
      %swap3A_39 = arith.index_cast %scan3A_33 : i32 to index
      %swap3A_40 = arith.constant 32 : index
      %swap3A_41 = tpu.vector_load %arg18[%swap3A_39, %swap3A_40] {strides = array<i32>} : memref<80x128xf32, #tpu.memory_space<vmem>>, vector<16xf32>,
      tpu.vector_store %arg18[%swap3A_39, %swap3A_40], %broadcast_in_dim3A_1 {strides = array<i32>} : memref<80x128xf32, #tpu.memory_space<vmem>>, vector<16xf32>,
      %swap3A_42 = arith.index_cast %scan3A_33 : i32 to index
      %swap3A_43 = arith.constant 48 : index
      %swap3A_44 = tpu.vector_load %arg18[%swap3A_42, %swap3A_43] {strides = array<i32>} : memref<80x128xf32, #tpu.memory_space<vmem>>, vector<16xf32>,
      tpu.vector_store %arg18[%swap3A_42, %swap3A_43], %broadcast_in_dim3A_1 {strides = array<i32>} : memref<80x128xf32, #tpu.memory_space<vmem>>, vector<16xf32>,
      %swap3A_45 = arith.index_cast %scan3A_33 : i32 to index
      %swap3A_46 = arith.constant 64 : index
      %swap3A_47 = tpu.vector_load %arg18[%swap3A_45, %swap3A_46] {strides = array<i32>} : memref<80x128xf32, #tpu.memory_space<vmem>>, vector<16xf32>,
      tpu.vector_store %arg18[%swap3A_45, %swap3A_46], %broadcast_in_dim3A_1 {strides = array<i32>} : memref<80x128xf32, #tpu.memory_space<vmem>>, vector<16xf32>,
      %swap3A_48 = arith.index_cast %scan3A_33 : i32 to index
      %swap3A_49 = arith.constant 80 : index
      %swap3A_50 = tpu.vector_load %arg18[%swap3A_48, %swap3A_49] {strides = array<i32>} : memref<80x128xf32, #tpu.memory_space<vmem>>, vector<16xf32>,
      tpu.vector_store %arg18[%swap3A_48, %swap3A_49], %broadcast_in_dim3A_1 {strides = array<i32>} : memref<80x128xf32, #tpu.memory_space<vmem>>, vector<16xf32>,
      %swap3A_51 = arith.index_cast %scan3A_33 : i32 to index
      %swap3A_52 = arith.constant 96 : index
      %swap3A_53 = tpu.vector_load %arg18[%swap3A_51, %swap3A_52] {strides = array<i32>} : memref<80x128xf32, #tpu.memory_space<vmem>>, vector<16xf32>,
      tpu.vector_store %arg18[%swap3A_51, %swap3A_52], %broadcast_in_dim3A_1 {strides = array<i32>} : memref<80x128xf32, #tpu.memory_space<vmem>>, vector<16xf32>,
      %swap3A_54 = arith.index_cast %scan3A_33 : i32 to index
      %swap3A_55 = arith.constant 112 : index
      %swap3A_56 = tpu.vector_load %arg18[%swap3A_54, %swap3A_55] {strides = array<i32>} : memref<80x128xf32, #tpu.memory_space<vmem>>, vector<16xf32>,
      tpu.vector_store %arg18[%swap3A_54, %swap3A_55], %broadcast_in_dim3A_1 {strides = array<i32>} : memref<80x128xf32, #tpu.memory_space<vmem>>, vector<16xf32>,
    }
    %scan3A_6 = arith.constant 80 : i32
    %scan3A_7 = arith.constant 0 : i32
    %scan3A_8 = arith.constant 0 : i32
    %scan3A_9 = arith.constant 632 : i32
    %scan3A_10 = arith.addi %scan3A_8, %scan3A_9 : i32
    %scan3A_11 = arith.constant 1 : i32
    scf.for %scan3A_33 = %scan3A_8 to %scan3A_10 step %scan3A_11  : i32 {
      %mul3A_34 = arith.constant 16 : i32
      %mul3A_35 = arith.muli %scan3A_33, %mul3A_34 : i32
      %swap3A = arith.index_cast %mul3A_35 : i32 to index
      %swap3A_36 = tpu.vector_load %arg20[%swap3A] {strides = array<i32>} : memref<10112xf32, #tpu.memory_space<vmem>>, vector<16xf32>,
      tpu.vector_store %arg20[%swap3A], %broadcast_in_dim3A_1 {strides = array<i32>} : memref<10112xf32, #tpu.memory_space<vmem>>, vector<16xf32>,
    }
    %scan3A_12 = arith.constant 632 : i32
    %scan3A_13 = arith.constant 0 : i32
    %scan3A_14 = arith.constant 0 : i32
    %scan3A_15 = arith.constant 7 : i32
    %scan3A_16 = arith.addi %scan3A_14, %scan3A_15 : i32
    %scan3A_17 = arith.constant 1 : i32
    scf.for %scan3A_33 = %scan3A_14 to %scan3A_16 step %scan3A_17  : i32 {
      %mul3A_34 = arith.constant 632 : i32
      %mul3A_35 = arith.muli %arg1, %mul3A_34 : i32
      %mul3A_36 = arith.constant 80 : i32
      %mul3A_37 = arith.muli %scan3A_33, %mul3A_36 : i32
      %add3A_38 = arith.addi %mul3A_35, %mul3A_37 : i32
      "tpu.region"() ({
        %run_scoped3A = tpu.sem_alloc : memref<!tpu.dma_semaphore, #tpu.memory_space<semaphore_mem>>
        %dma_start3A = arith.constant 0 : i32
        %dma_start3A_39 = tpu.memref_slice %arg21[%add3A_38, %dma_start3A] : memref<10112x128xf32, #tpu.memory_space<vmem_shared>> -> memref<80x128xf32, #tpu.memory_space<vmem_shared>>
        %dma_start3A_40 = arith.constant 0 : i32
        %dma_start3A_41 = tpu.memref_slice %arg21[%add3A_38, %dma_start3A_40] : memref<10112x128xf32, #tpu.memory_space<vmem_shared>> -> memref<80x128xf32, #tpu.memory_space<vmem_shared>>
        tpu.enqueue_dma source(%arg18 : memref<80x128xf32, #tpu.memory_space<vmem>>) target(%dma_start3A_41 : memref<80x128xf32, #tpu.memory_space<vmem_shared>>) target_semaphore(%run_scoped3A : memref<!tpu.dma_semaphore, #tpu.memory_space<semaphore_mem>>)
        %dma_wait3A = arith.constant 0 : i32
        %dma_wait3A_42 = tpu.memref_slice %arg21[%add3A_38, %dma_wait3A] : memref<10112x128xf32, #tpu.memory_space<vmem_shared>> -> memref<80x128xf32, #tpu.memory_space<vmem_shared>>
        %dma_wait3A_43 = arith.constant 0 : i32
        %dma_wait3A_44 = tpu.memref_slice %arg21[%add3A_38, %dma_wait3A_43] : memref<10112x128xf32, #tpu.memory_space<vmem_shared>> -> memref<80x128xf32, #tpu.memory_space<vmem_shared>>
        tpu.wait_dma2 semaphore(%run_scoped3A : memref<!tpu.dma_semaphore, #tpu.memory_space<semaphore_mem>>) src(%arg18 : memref<80x128xf32, #tpu.memory_space<vmem>>) dst(%dma_wait3A_44 : memref<80x128xf32, #tpu.memory_space<vmem_shared>>)
        tpu.yield
      }) : () -> ()
    }
    %scan3A_18 = arith.constant 7 : i32
    %mul3A_19 = arith.constant 632 : i32
    %mul3A_20 = arith.muli %arg1, %mul3A_19 : i32
    %add3A_21 = arith.constant 632 : i32
    %add3A_22 = arith.addi %mul3A_20, %add3A_21 : i32
    %sub3A = arith.constant 72 : i32
    %sub3A_23 = arith.subi %add3A_22, %sub3A : i32
    "tpu.region"() ({
      %run_scoped3A = tpu.sem_alloc : memref<!tpu.dma_semaphore, #tpu.memory_space<semaphore_mem>>
      %dma_start3A = arith.constant 0 : i32
      %dma_start3A_33 = arith.constant 0 : i32
      %dma_start3A_34 = tpu.memref_slice %arg18[%dma_start3A, %dma_start3A_33] : memref<80x128xf32, #tpu.memory_space<vmem>> -> memref<72x128xf32, #tpu.memory_space<vmem>>
      %dma_start3A_35 = arith.constant 0 : i32
      %dma_start3A_36 = tpu.memref_slice %arg21[%sub3A_23, %dma_start3A_35] : memref<10112x128xf32, #tpu.memory_space<vmem_shared>> -> memref<72x128xf32, #tpu.memory_space<vmem_shared>>
      %dma_start3A_37 = arith.constant 0 : i32
      %dma_start3A_38 = tpu.memref_slice %arg21[%sub3A_23, %dma_start3A_37] : memref<10112x128xf32, #tpu.memory_space<vmem_shared>> -> memref<72x128xf32, #tpu.memory_space<vmem_shared>>
      %dma_start3A_39 = arith.constant 0 : i32
      %dma_start3A_40 = arith.constant 0 : i32
      %dma_start3A_41 = tpu.memref_slice %arg18[%dma_start3A_39, %dma_start3A_40] : memref<80x128xf32, #tpu.memory_space<vmem>> -> memref<72x128xf32, #tpu.memory_space<vmem>>
      tpu.enqueue_dma source(%dma_start3A_41 : memref<72x128xf32, #tpu.memory_space<vmem>>) target(%dma_start3A_38 : memref<72x128xf32, #tpu.memory_space<vmem_shared>>) target_semaphore(%run_scoped3A : memref<!tpu.dma_semaphore, #tpu.memory_space<semaphore_mem>>)
      %dma_wait3A = arith.constant 0 : i32
      %dma_wait3A_42 = arith.constant 0 : i32
      %dma_wait3A_43 = tpu.memref_slice %arg18[%dma_wait3A, %dma_wait3A_42] : memref<80x128xf32, #tpu.memory_space<vmem>> -> memref<72x128xf32, #tpu.memory_space<vmem>>
      %dma_wait3A_44 = arith.constant 0 : i32
      %dma_wait3A_45 = tpu.memref_slice %arg21[%sub3A_23, %dma_wait3A_44] : memref<10112x128xf32, #tpu.memory_space<vmem_shared>> -> memref<72x128xf32, #tpu.memory_space<vmem_shared>>
      %dma_wait3A_46 = arith.constant 0 : i32
      %dma_wait3A_47 = tpu.memref_slice %arg21[%sub3A_23, %dma_wait3A_46] : memref<10112x128xf32, #tpu.memory_space<vmem_shared>> -> memref<72x128xf32, #tpu.memory_space<vmem_shared>>
      %dma_wait3A_48 = arith.constant 0 : i32
      %dma_wait3A_49 = arith.constant 0 : i32
      %dma_wait3A_50 = tpu.memref_slice %arg18[%dma_wait3A_48, %dma_wait3A_49] : memref<80x128xf32, #tpu.memory_space<vmem>> -> memref<72x128xf32, #tpu.memory_space<vmem>>
      tpu.wait_dma2 semaphore(%run_scoped3A : memref<!tpu.dma_semaphore, #tpu.memory_space<semaphore_mem>>) src(%dma_wait3A_50 : memref<72x128xf32, #tpu.memory_space<vmem>>) dst(%dma_wait3A_47 : memref<72x128xf32, #tpu.memory_space<vmem_shared>>)
      tpu.yield
    }) : () -> ()
    %barrier3A = arith.constant 0 : index
    tpu.barrier barrier_id(%barrier3A)
    %scan3A_24 = arith.constant 0 : i32
    %scan3A_25 = arith.constant 0 : i32
    %scan3A_26 = arith.constant 5 : i32
    %scan3A_27 = arith.addi %scan3A_25, %scan3A_26 : i32
    %scan3A_28 = arith.constant 1 : i32
    scf.for %scan3A_33 = %scan3A_25 to %scan3A_27 step %scan3A_28  : i32 {
      %mul3A_34 = arith.constant 10000 : i32
      %mul3A_35 = arith.muli %add3A, %mul3A_34 : i32
      %mul3A_36 = arith.constant 2000 : i32
      %mul3A_37 = arith.muli %scan3A_33, %mul3A_36 : i32
      %add3A_38 = arith.addi %mul3A_35, %mul3A_37 : i32
      %multiple_of3A = tpu.assume_multiple %add3A_38, 16 : i32
      "tpu.region"() ({
        %run_scoped3A = tpu.sem_alloc : memref<!tpu.dma_semaphore, #tpu.memory_space<semaphore_mem>>
        %dma_start3A = tpu.memref_slice %arg6[%multiple_of3A] : memref<320000xi32, #tpu.memory_space<hbm>> -> memref<2000xi32, #tpu.memory_space<hbm>>
        %dma_start3A_45 = tpu.memref_slice %arg6[%multiple_of3A] : memref<320000xi32, #tpu.memory_space<hbm>> -> memref<2000xi32, #tpu.memory_space<hbm>>
        tpu.enqueue_dma source(%dma_start3A_45 : memref<2000xi32, #tpu.memory_space<hbm>>) target(%arg13 : memref<2000xi32, #tpu.memory_space<vmem>>) target_semaphore(%run_scoped3A : memref<!tpu.dma_semaphore, #tpu.memory_space<semaphore_mem>>)
        %dma_wait3A = tpu.memref_slice %arg6[%multiple_of3A] : memref<320000xi32, #tpu.memory_space<hbm>> -> memref<2000xi32, #tpu.memory_space<hbm>>
        %dma_wait3A_46 = tpu.memref_slice %arg6[%multiple_of3A] : memref<320000xi32, #tpu.memory_space<hbm>> -> memref<2000xi32, #tpu.memory_space<hbm>>
        tpu.wait_dma2 semaphore(%run_scoped3A : memref<!tpu.dma_semaphore, #tpu.memory_space<semaphore_mem>>) src(%dma_wait3A_46 : memref<2000xi32, #tpu.memory_space<hbm>>) dst(%arg13 : memref<2000xi32, #tpu.memory_space<vmem>>)
        tpu.yield
      }) : () -> ()
      "tpu.region"() ({
        %run_scoped3A = tpu.sem_alloc : memref<!tpu.dma_semaphore, #tpu.memory_space<semaphore_mem>>
        %dma_start3A = tpu.memref_slice %arg7[%multiple_of3A] : memref<320000xi32, #tpu.memory_space<hbm>> -> memref<2000xi32, #tpu.memory_space<hbm>>
        %dma_start3A_45 = tpu.memref_slice %arg7[%multiple_of3A] : memref<320000xi32, #tpu.memory_space<hbm>> -> memref<2000xi32, #tpu.memory_space<hbm>>
        tpu.enqueue_dma source(%dma_start3A_45 : memref<2000xi32, #tpu.memory_space<hbm>>) target(%arg14 : memref<2000xi32, #tpu.memory_space<vmem>>) target_semaphore(%run_scoped3A : memref<!tpu.dma_semaphore, #tpu.memory_space<semaphore_mem>>)
        %dma_wait3A = tpu.memref_slice %arg7[%multiple_of3A] : memref<320000xi32, #tpu.memory_space<hbm>> -> memref<2000xi32, #tpu.memory_space<hbm>>
        %dma_wait3A_46 = tpu.memref_slice %arg7[%multiple_of3A] : memref<320000xi32, #tpu.memory_space<hbm>> -> memref<2000xi32, #tpu.memory_space<hbm>>
        tpu.wait_dma2 semaphore(%run_scoped3A : memref<!tpu.dma_semaphore, #tpu.memory_space<semaphore_mem>>) src(%dma_wait3A_46 : memref<2000xi32, #tpu.memory_space<hbm>>) dst(%arg14 : memref<2000xi32, #tpu.memory_space<vmem>>)
        tpu.yield
      }) : () -> ()
      "tpu.region"() ({
        %run_scoped3A = tpu.sem_alloc : memref<!tpu.dma_semaphore, #tpu.memory_space<semaphore_mem>>
        %dma_start3A = tpu.memref_slice %arg8[%multiple_of3A] : memref<320000xi32, #tpu.memory_space<hbm>> -> memref<2000xi32, #tpu.memory_space<hbm>>
        %dma_start3A_45 = tpu.memref_slice %arg8[%multiple_of3A] : memref<320000xi32, #tpu.memory_space<hbm>> -> memref<2000xi32, #tpu.memory_space<hbm>>
        tpu.enqueue_dma source(%dma_start3A_45 : memref<2000xi32, #tpu.memory_space<hbm>>) target(%arg15 : memref<2000xi32, #tpu.memory_space<vmem>>) target_semaphore(%run_scoped3A : memref<!tpu.dma_semaphore, #tpu.memory_space<semaphore_mem>>)
        %dma_wait3A = tpu.memref_slice %arg8[%multiple_of3A] : memref<320000xi32, #tpu.memory_space<hbm>> -> memref<2000xi32, #tpu.memory_space<hbm>>
        %dma_wait3A_46 = tpu.memref_slice %arg8[%multiple_of3A] : memref<320000xi32, #tpu.memory_space<hbm>> -> memref<2000xi32, #tpu.memory_space<hbm>>
        tpu.wait_dma2 semaphore(%run_scoped3A : memref<!tpu.dma_semaphore, #tpu.memory_space<semaphore_mem>>) src(%dma_wait3A_46 : memref<2000xi32, #tpu.memory_space<hbm>>) dst(%arg15 : memref<2000xi32, #tpu.memory_space<vmem>>)
        tpu.yield
      }) : () -> ()
      %scan3A_39 = arith.constant 0 : i32
      %scan3A_40 = arith.constant 0 : i32
      %scan3A_41 = arith.constant 25 : i32
      %scan3A_42 = arith.addi %scan3A_40, %scan3A_41 : i32
      %scan3A_43 = arith.constant 1 : i32
      scf.for %scan3A_45 = %scan3A_40 to %scan3A_42 step %scan3A_43  : i32 {
        %mul3A_46 = arith.constant 80 : i32
        %mul3A_47 = arith.muli %scan3A_45, %mul3A_46 : i32
        %multiple_of3A_48 = tpu.assume_multiple %mul3A_47, 16 : i32
        %dma_start3A = tpu.memref_slice %arg13[%multiple_of3A_48] : memref<2000xi32, #tpu.memory_space<vmem>> -> memref<80xi32, #tpu.memory_space<vmem>>
        %dma_start3A_49 = arith.constant 0 : i32
        %dma_start3A_50 = arith.constant 0 : i32
        %dma_start3A_51 = tpu.memref_slice %arg2[%dma_start3A_49, %dma_start3A_50] : memref<10112x128xf32, #tpu.memory_space<hbm>> -> memref<10112x128xf32, #tpu.memory_space<hbm>>
        tpu.enqueue_indirect_dma source(%dma_start3A_51 : memref<10112x128xf32, #tpu.memory_space<hbm>>) target(%arg18 : memref<80x128xf32, #tpu.memory_space<vmem>>) offsets(%dma_start3A : memref<80xi32, #tpu.memory_space<vmem>>) semaphore(%arg22 : memref<!tpu.dma_semaphore, #tpu.memory_space<semaphore_mem>>)
        %dma_start3A_52 = tpu.memref_slice %arg15[%multiple_of3A_48] : memref<2000xi32, #tpu.memory_space<vmem>> -> memref<80xi32, #tpu.memory_space<vmem>>
        %dma_start3A_53 = arith.constant 0 : i32
        %dma_start3A_54 = arith.constant 0 : i32
        %dma_start3A_55 = tpu.memref_slice %arg5[%dma_start3A_53, %dma_start3A_54] : memref<64x128xf32, #tpu.memory_space<hbm>> -> memref<64x128xf32, #tpu.memory_space<hbm>>
        tpu.enqueue_indirect_dma source(%dma_start3A_55 : memref<64x128xf32, #tpu.memory_space<hbm>>) target(%arg19 : memref<80x128xf32, #tpu.memory_space<vmem>>) offsets(%dma_start3A_52 : memref<80xi32, #tpu.memory_space<vmem>>) semaphore(%arg23 : memref<!tpu.dma_semaphore, #tpu.memory_space<semaphore_mem>>)
        %add3A_56 = arith.constant 0 : i32
        %add3A_57 = arith.addi %multiple_of3A_48, %add3A_56 : i32
        %get3A = arith.index_cast %add3A_57 : i32 to index
        %get3A_58 = tpu.vector_load %arg13[%get3A] {strides = array<i32>} : memref<2000xi32, #tpu.memory_space<vmem>>, vector<16xi32>,
        %add3A_59 = arith.constant 0 : i32
        %add3A_60 = arith.addi %multiple_of3A_48, %add3A_59 : i32
        %get3A_61 = arith.index_cast %add3A_60 : i32 to index
        %get3A_62 = tpu.vector_load %arg14[%get3A_61] {strides = array<i32>} : memref<2000xi32, #tpu.memory_space<vmem>>, vector<16xi32>,
        %add3A_63 = arith.constant 0 : i32
        %add3A_64 = arith.addi %multiple_of3A_48, %add3A_63 : i32
        %get3A_65 = arith.index_cast %add3A_64 : i32 to index
        %get3A_66 = tpu.vector_load %arg15[%get3A_65] {strides = array<i32>} : memref<2000xi32, #tpu.memory_space<vmem>>, vector<16xi32>,
        %gather3A = tpu.vector_load_idx %arg11[%get3A_58] : memref<10112xf32, #tpu.memory_space<vmem>>[vector<16xi32>], vector<16xf32>,
        %gather3A_67 = tpu.vector_load_idx %arg12[%get3A_66] : memref<64xf32, #tpu.memory_space<vmem>>[vector<16xi32>], vector<16xf32>,
        %add3A_68 = arith.addf %gather3A, %gather3A_67 : vector<16xf32>
        %exp3A = math.exp %add3A_68 : vector<16xf32>
        %swap3A = arith.constant 0 : index
        %swap3A_69 = tpu.vector_load %arg17[%swap3A] {strides = array<i32>} : memref<80xf32, #tpu.memory_space<vmem>>, vector<16xf32>,
        tpu.vector_store %arg17[%swap3A], %exp3A {strides = array<i32>} : memref<80xf32, #tpu.memory_space<vmem>>, vector<16xf32>,
        %swap3A_70 = arith.constant 0 : index
        %swap3A_71 = tpu.vector_load %arg16[%swap3A_70] {strides = array<i32>} : memref<80xi32, #tpu.memory_space<vmem>>, vector<16xi32>,
        tpu.vector_store %arg16[%swap3A_70], %get3A_62 {strides = array<i32>} : memref<80xi32, #tpu.memory_space<vmem>>, vector<16xi32>,
        tpu.vector_store_idx %arg20[%get3A_62], %exp3A {add = true} : memref<10112xf32, #tpu.memory_space<vmem>>[vector<16xi32>], vector<16xf32>,
        %add3A_72 = arith.constant 16 : i32
        %add3A_73 = arith.addi %multiple_of3A_48, %add3A_72 : i32
        %get3A_74 = arith.index_cast %add3A_73 : i32 to index
        %get3A_75 = tpu.vector_load %arg13[%get3A_74] {strides = array<i32>} : memref<2000xi32, #tpu.memory_space<vmem>>, vector<16xi32>,
        %add3A_76 = arith.constant 16 : i32
        %add3A_77 = arith.addi %multiple_of3A_48, %add3A_76 : i32
        %get3A_78 = arith.index_cast %add3A_77 : i32 to index
        %get3A_79 = tpu.vector_load %arg14[%get3A_78] {strides = array<i32>} : memref<2000xi32, #tpu.memory_space<vmem>>, vector<16xi32>,
        %add3A_80 = arith.constant 16 : i32
        %add3A_81 = arith.addi %multiple_of3A_48, %add3A_80 : i32
        %get3A_82 = arith.index_cast %add3A_81 : i32 to index
        %get3A_83 = tpu.vector_load %arg15[%get3A_82] {strides = array<i32>} : memref<2000xi32, #tpu.memory_space<vmem>>, vector<16xi32>,
        %gather3A_84 = tpu.vector_load_idx %arg11[%get3A_75] : memref<10112xf32, #tpu.memory_space<vmem>>[vector<16xi32>], vector<16xf32>,
        %gather3A_85 = tpu.vector_load_idx %arg12[%get3A_83] : memref<64xf32, #tpu.memory_space<vmem>>[vector<16xi32>], vector<16xf32>,
        %add3A_86 = arith.addf %gather3A_84, %gather3A_85 : vector<16xf32>
        %exp3A_87 = math.exp %add3A_86 : vector<16xf32>
        %swap3A_88 = arith.constant 16 : index
        %swap3A_89 = tpu.vector_load %arg17[%swap3A_88] {strides = array<i32>} : memref<80xf32, #tpu.memory_space<vmem>>, vector<16xf32>,
        tpu.vector_store %arg17[%swap3A_88], %exp3A_87 {strides = array<i32>} : memref<80xf32, #tpu.memory_space<vmem>>, vector<16xf32>,
        %swap3A_90 = arith.constant 16 : index
        %swap3A_91 = tpu.vector_load %arg16[%swap3A_90] {strides = array<i32>} : memref<80xi32, #tpu.memory_space<vmem>>, vector<16xi32>,
        tpu.vector_store %arg16[%swap3A_90], %get3A_79 {strides = array<i32>} : memref<80xi32, #tpu.memory_space<vmem>>, vector<16xi32>,
        tpu.vector_store_idx %arg20[%get3A_79], %exp3A_87 {add = true} : memref<10112xf32, #tpu.memory_space<vmem>>[vector<16xi32>], vector<16xf32>,
        %add3A_92 = arith.constant 32 : i32
        %add3A_93 = arith.addi %multiple_of3A_48, %add3A_92 : i32
        %get3A_94 = arith.index_cast %add3A_93 : i32 to index
        %get3A_95 = tpu.vector_load %arg13[%get3A_94] {strides = array<i32>} : memref<2000xi32, #tpu.memory_space<vmem>>, vector<16xi32>,
        %add3A_96 = arith.constant 32 : i32
        %add3A_97 = arith.addi %multiple_of3A_48, %add3A_96 : i32
        %get3A_98 = arith.index_cast %add3A_97 : i32 to index
        %get3A_99 = tpu.vector_load %arg14[%get3A_98] {strides = array<i32>} : memref<2000xi32, #tpu.memory_space<vmem>>, vector<16xi32>,
        %add3A_100 = arith.constant 32 : i32
        %add3A_101 = arith.addi %multiple_of3A_48, %add3A_100 : i32
        %get3A_102 = arith.index_cast %add3A_101 : i32 to index
        %get3A_103 = tpu.vector_load %arg15[%get3A_102] {strides = array<i32>} : memref<2000xi32, #tpu.memory_space<vmem>>, vector<16xi32>,
        %gather3A_104 = tpu.vector_load_idx %arg11[%get3A_95] : memref<10112xf32, #tpu.memory_space<vmem>>[vector<16xi32>], vector<16xf32>,
        %gather3A_105 = tpu.vector_load_idx %arg12[%get3A_103] : memref<64xf32, #tpu.memory_space<vmem>>[vector<16xi32>], vector<16xf32>,
        %add3A_106 = arith.addf %gather3A_104, %gather3A_105 : vector<16xf32>
        %exp3A_107 = math.exp %add3A_106 : vector<16xf32>
        %swap3A_108 = arith.constant 32 : index
        %swap3A_109 = tpu.vector_load %arg17[%swap3A_108] {strides = array<i32>} : memref<80xf32, #tpu.memory_space<vmem>>, vector<16xf32>,
        tpu.vector_store %arg17[%swap3A_108], %exp3A_107 {strides = array<i32>} : memref<80xf32, #tpu.memory_space<vmem>>, vector<16xf32>,
        %swap3A_110 = arith.constant 32 : index
        %swap3A_111 = tpu.vector_load %arg16[%swap3A_110] {strides = array<i32>} : memref<80xi32, #tpu.memory_space<vmem>>, vector<16xi32>,
        tpu.vector_store %arg16[%swap3A_110], %get3A_99 {strides = array<i32>} : memref<80xi32, #tpu.memory_space<vmem>>, vector<16xi32>,
        tpu.vector_store_idx %arg20[%get3A_99], %exp3A_107 {add = true} : memref<10112xf32, #tpu.memory_space<vmem>>[vector<16xi32>], vector<16xf32>,
        %add3A_112 = arith.constant 48 : i32
        %add3A_113 = arith.addi %multiple_of3A_48, %add3A_112 : i32
        %get3A_114 = arith.index_cast %add3A_113 : i32 to index
        %get3A_115 = tpu.vector_load %arg13[%get3A_114] {strides = array<i32>} : memref<2000xi32, #tpu.memory_space<vmem>>, vector<16xi32>,
        %add3A_116 = arith.constant 48 : i32
        %add3A_117 = arith.addi %multiple_of3A_48, %add3A_116 : i32
        %get3A_118 = arith.index_cast %add3A_117 : i32 to index
        %get3A_119 = tpu.vector_load %arg14[%get3A_118] {strides = array<i32>} : memref<2000xi32, #tpu.memory_space<vmem>>, vector<16xi32>,
        %add3A_120 = arith.constant 48 : i32
        %add3A_121 = arith.addi %multiple_of3A_48, %add3A_120 : i32
        %get3A_122 = arith.index_cast %add3A_121 : i32 to index
        %get3A_123 = tpu.vector_load %arg15[%get3A_122] {strides = array<i32>} : memref<2000xi32, #tpu.memory_space<vmem>>, vector<16xi32>,
        %gather3A_124 = tpu.vector_load_idx %arg11[%get3A_115] : memref<10112xf32, #tpu.memory_space<vmem>>[vector<16xi32>], vector<16xf32>,
        %gather3A_125 = tpu.vector_load_idx %arg12[%get3A_123] : memref<64xf32, #tpu.memory_space<vmem>>[vector<16xi32>], vector<16xf32>,
        %add3A_126 = arith.addf %gather3A_124, %gather3A_125 : vector<16xf32>
        %exp3A_127 = math.exp %add3A_126 : vector<16xf32>
        %swap3A_128 = arith.constant 48 : index
        %swap3A_129 = tpu.vector_load %arg17[%swap3A_128] {strides = array<i32>} : memref<80xf32, #tpu.memory_space<vmem>>, vector<16xf32>,
        tpu.vector_store %arg17[%swap3A_128], %exp3A_127 {strides = array<i32>} : memref<80xf32, #tpu.memory_space<vmem>>, vector<16xf32>,
        %swap3A_130 = arith.constant 48 : index
        %swap3A_131 = tpu.vector_load %arg16[%swap3A_130] {strides = array<i32>} : memref<80xi32, #tpu.memory_space<vmem>>, vector<16xi32>,
        tpu.vector_store %arg16[%swap3A_130], %get3A_119 {strides = array<i32>} : memref<80xi32, #tpu.memory_space<vmem>>, vector<16xi32>,
        tpu.vector_store_idx %arg20[%get3A_119], %exp3A_127 {add = true} : memref<10112xf32, #tpu.memory_space<vmem>>[vector<16xi32>], vector<16xf32>,
        %add3A_132 = arith.constant 64 : i32
        %add3A_133 = arith.addi %multiple_of3A_48, %add3A_132 : i32
        %get3A_134 = arith.index_cast %add3A_133 : i32 to index
        %get3A_135 = tpu.vector_load %arg13[%get3A_134] {strides = array<i32>} : memref<2000xi32, #tpu.memory_space<vmem>>, vector<16xi32>,
        %add3A_136 = arith.constant 64 : i32
        %add3A_137 = arith.addi %multiple_of3A_48, %add3A_136 : i32
        %get3A_138 = arith.index_cast %add3A_137 : i32 to index
        %get3A_139 = tpu.vector_load %arg14[%get3A_138] {strides = array<i32>} : memref<2000xi32, #tpu.memory_space<vmem>>, vector<16xi32>,
        %add3A_140 = arith.constant 64 : i32
        %add3A_141 = arith.addi %multiple_of3A_48, %add3A_140 : i32
        %get3A_142 = arith.index_cast %add3A_141 : i32 to index
        %get3A_143 = tpu.vector_load %arg15[%get3A_142] {strides = array<i32>} : memref<2000xi32, #tpu.memory_space<vmem>>, vector<16xi32>,
        %gather3A_144 = tpu.vector_load_idx %arg11[%get3A_135] : memref<10112xf32, #tpu.memory_space<vmem>>[vector<16xi32>], vector<16xf32>,
        %gather3A_145 = tpu.vector_load_idx %arg12[%get3A_143] : memref<64xf32, #tpu.memory_space<vmem>>[vector<16xi32>], vector<16xf32>,
        %add3A_146 = arith.addf %gather3A_144, %gather3A_145 : vector<16xf32>
        %exp3A_147 = math.exp %add3A_146 : vector<16xf32>
        %swap3A_148 = arith.constant 64 : index
        %swap3A_149 = tpu.vector_load %arg17[%swap3A_148] {strides = array<i32>} : memref<80xf32, #tpu.memory_space<vmem>>, vector<16xf32>,
        tpu.vector_store %arg17[%swap3A_148], %exp3A_147 {strides = array<i32>} : memref<80xf32, #tpu.memory_space<vmem>>, vector<16xf32>,
        %swap3A_150 = arith.constant 64 : index
        %swap3A_151 = tpu.vector_load %arg16[%swap3A_150] {strides = array<i32>} : memref<80xi32, #tpu.memory_space<vmem>>, vector<16xi32>,
        tpu.vector_store %arg16[%swap3A_150], %get3A_139 {strides = array<i32>} : memref<80xi32, #tpu.memory_space<vmem>>, vector<16xi32>,
        tpu.vector_store_idx %arg20[%get3A_139], %exp3A_147 {add = true} : memref<10112xf32, #tpu.memory_space<vmem>>[vector<16xi32>], vector<16xf32>,
        %dma_wait3A = tpu.memref_slice %arg13[%multiple_of3A_48] : memref<2000xi32, #tpu.memory_space<vmem>> -> memref<80xi32, #tpu.memory_space<vmem>>
        %dma_wait3A_152 = arith.constant 0 : i32
        %dma_wait3A_153 = arith.constant 0 : i32
        %dma_wait3A_154 = tpu.memref_slice %arg2[%dma_wait3A_152, %dma_wait3A_153] : memref<10112x128xf32, #tpu.memory_space<hbm>> -> memref<10112x128xf32, #tpu.memory_space<hbm>>
        tpu.wait_indirect_dma semaphore(%arg22 : memref<!tpu.dma_semaphore, #tpu.memory_space<semaphore_mem>>) src(%dma_wait3A_154 : memref<10112x128xf32, #tpu.memory_space<hbm>>) dst(%arg18 : memref<80x128xf32, #tpu.memory_space<vmem>>)
        %dma_wait3A_155 = tpu.memref_slice %arg15[%multiple_of3A_48] : memref<2000xi32, #tpu.memory_space<vmem>> -> memref<80xi32, #tpu.memory_space<vmem>>
        %dma_wait3A_156 = arith.constant 0 : i32
        %dma_wait3A_157 = arith.constant 0 : i32
        %dma_wait3A_158 = tpu.memref_slice %arg5[%dma_wait3A_156, %dma_wait3A_157] : memref<64x128xf32, #tpu.memory_space<hbm>> -> memref<64x128xf32, #tpu.memory_space<hbm>>
        tpu.wait_indirect_dma semaphore(%arg23 : memref<!tpu.dma_semaphore, #tpu.memory_space<semaphore_mem>>) src(%dma_wait3A_158 : memref<64x128xf32, #tpu.memory_space<hbm>>) dst(%arg19 : memref<80x128xf32, #tpu.memory_space<vmem>>)
        %parallel_loop3A = arith.constant 0 : i32
        %parallel_loop3A_159 = arith.constant 80 : i32
        %parallel_loop3A_160 = arith.constant 1 : i32
        scf.for %parallel_loop3A_161 = %parallel_loop3A to %parallel_loop3A_159 step %parallel_loop3A_160  : i32 {
          %parallel_loop3A_162 = arith.constant 4 : i32
          %parallel_loop3A_163 = arith.shrsi %parallel_loop3A_161, %parallel_loop3A_162 : i32
          %parallel_loop3A_164 = arith.constant 16 : i32
          %parallel_loop3A_165 = arith.muli %parallel_loop3A_163, %parallel_loop3A_164 : i32
          %parallel_loop3A_166 = tpu.assume_multiple %parallel_loop3A_165, 16 : i32
          %parallel_loop3A_167 = arith.index_cast %parallel_loop3A_166 : i32 to index
          %parallel_loop3A_168 = tpu.vector_load %arg17[%parallel_loop3A_167] {strides = array<i32>} : memref<80xf32, #tpu.memory_space<vmem>>, vector<16xf32>,
          %parallel_loop3A_169 = arith.constant 15 : i32
          %parallel_loop3A_170 = arith.andi %parallel_loop3A_161, %parallel_loop3A_169 : i32
          %parallel_loop3A_171 = vector.broadcast %parallel_loop3A_170 : i32 to vector<16xi32>
          %parallel_loop3A_172 = vector.shape_cast %parallel_loop3A_171 : vector<16xi32> to vector<16x1xi32>
          %parallel_loop3A_173 = vector.shape_cast %parallel_loop3A_172 : vector<16x1xi32> to vector<16xi32>
          %parallel_loop3A_174 = tpu.dynamic_gather %parallel_loop3A_168[%parallel_loop3A_173] in [0] : vector<16xf32>, vector<16xi32> -> vector<16xf32>
          %parallel_loop3A_175 = arith.index_cast %parallel_loop3A_161 : i32 to index
          %parallel_loop3A_176 = arith.constant 0 : index
          %parallel_loop3A_177 = tpu.vector_load %arg18[%parallel_loop3A_175, %parallel_loop3A_176] {strides = array<i32>} : memref<80x128xf32, #tpu.memory_space<vmem>>, vector<16xf32>,
          %parallel_loop3A_178 = arith.index_cast %parallel_loop3A_161 : i32 to index
          %parallel_loop3A_179 = arith.constant 0 : index
          %parallel_loop3A_180 = tpu.vector_load %arg19[%parallel_loop3A_178, %parallel_loop3A_179] {strides = array<i32>} : memref<80x128xf32, #tpu.memory_space<vmem>>, vector<16xf32>,
          %parallel_loop3A_181 = arith.addf %parallel_loop3A_177, %parallel_loop3A_180 : vector<16xf32>
          %parallel_loop3A_182 = arith.mulf %parallel_loop3A_181, %parallel_loop3A_174 : vector<16xf32>
          %parallel_loop3A_183 = arith.index_cast %parallel_loop3A_161 : i32 to index
          %parallel_loop3A_184 = arith.constant 0 : index
          %parallel_loop3A_185 = tpu.vector_load %arg18[%parallel_loop3A_183, %parallel_loop3A_184] {strides = array<i32>} : memref<80x128xf32, #tpu.memory_space<vmem>>, vector<16xf32>,
          tpu.vector_store %arg18[%parallel_loop3A_183, %parallel_loop3A_184], %parallel_loop3A_182 {strides = array<i32>} : memref<80x128xf32, #tpu.memory_space<vmem>>, vector<16xf32>,
          %parallel_loop3A_186 = arith.index_cast %parallel_loop3A_161 : i32 to index
          %parallel_loop3A_187 = arith.constant 16 : index
          %parallel_loop3A_188 = tpu.vector_load %arg18[%parallel_loop3A_186, %parallel_loop3A_187] {strides = array<i32>} : memref<80x128xf32, #tpu.memory_space<vmem>>, vector<16xf32>,
          %parallel_loop3A_189 = arith.index_cast %parallel_loop3A_161 : i32 to index
          %parallel_loop3A_190 = arith.constant 16 : index
          %parallel_loop3A_191 = tpu.vector_load %arg19[%parallel_loop3A_189, %parallel_loop3A_190] {strides = array<i32>} : memref<80x128xf32, #tpu.memory_space<vmem>>, vector<16xf32>,
          %parallel_loop3A_192 = arith.addf %parallel_loop3A_188, %parallel_loop3A_191 : vector<16xf32>
          %parallel_loop3A_193 = arith.mulf %parallel_loop3A_192, %parallel_loop3A_174 : vector<16xf32>
          %parallel_loop3A_194 = arith.index_cast %parallel_loop3A_161 : i32 to index
          %parallel_loop3A_195 = arith.constant 16 : index
          %parallel_loop3A_196 = tpu.vector_load %arg18[%parallel_loop3A_194, %parallel_loop3A_195] {strides = array<i32>} : memref<80x128xf32, #tpu.memory_space<vmem>>, vector<16xf32>,
          tpu.vector_store %arg18[%parallel_loop3A_194, %parallel_loop3A_195], %parallel_loop3A_193 {strides = array<i32>} : memref<80x128xf32, #tpu.memory_space<vmem>>, vector<16xf32>,
          %parallel_loop3A_197 = arith.index_cast %parallel_loop3A_161 : i32 to index
          %parallel_loop3A_198 = arith.constant 32 : index
          %parallel_loop3A_199 = tpu.vector_load %arg18[%parallel_loop3A_197, %parallel_loop3A_198] {strides = array<i32>} : memref<80x128xf32, #tpu.memory_space<vmem>>, vector<16xf32>,
          %parallel_loop3A_200 = arith.index_cast %parallel_loop3A_161 : i32 to index
          %parallel_loop3A_201 = arith.constant 32 : index
          %parallel_loop3A_202 = tpu.vector_load %arg19[%parallel_loop3A_200, %parallel_loop3A_201] {strides = array<i32>} : memref<80x128xf32, #tpu.memory_space<vmem>>, vector<16xf32>,
          %parallel_loop3A_203 = arith.addf %parallel_loop3A_199, %parallel_loop3A_202 : vector<16xf32>
          %parallel_loop3A_204 = arith.mulf %parallel_loop3A_203, %parallel_loop3A_174 : vector<16xf32>
          %parallel_loop3A_205 = arith.index_cast %parallel_loop3A_161 : i32 to index
          %parallel_loop3A_206 = arith.constant 32 : index
          %parallel_loop3A_207 = tpu.vector_load %arg18[%parallel_loop3A_205, %parallel_loop3A_206] {strides = array<i32>} : memref<80x128xf32, #tpu.memory_space<vmem>>, vector<16xf32>,
          tpu.vector_store %arg18[%parallel_loop3A_205, %parallel_loop3A_206], %parallel_loop3A_204 {strides = array<i32>} : memref<80x128xf32, #tpu.memory_space<vmem>>, vector<16xf32>,
          %parallel_loop3A_208 = arith.index_cast %parallel_loop3A_161 : i32 to index
          %parallel_loop3A_209 = arith.constant 48 : index
          %parallel_loop3A_210 = tpu.vector_load %arg18[%parallel_loop3A_208, %parallel_loop3A_209] {strides = array<i32>} : memref<80x128xf32, #tpu.memory_space<vmem>>, vector<16xf32>,
          %parallel_loop3A_211 = arith.index_cast %parallel_loop3A_161 : i32 to index
          %parallel_loop3A_212 = arith.constant 48 : index
          %parallel_loop3A_213 = tpu.vector_load %arg19[%parallel_loop3A_211, %parallel_loop3A_212] {strides = array<i32>} : memref<80x128xf32, #tpu.memory_space<vmem>>, vector<16xf32>,
          %parallel_loop3A_214 = arith.addf %parallel_loop3A_210, %parallel_loop3A_213 : vector<16xf32>
          %parallel_loop3A_215 = arith.mulf %parallel_loop3A_214, %parallel_loop3A_174 : vector<16xf32>
          %parallel_loop3A_216 = arith.index_cast %parallel_loop3A_161 : i32 to index
          %parallel_loop3A_217 = arith.constant 48 : index
          %parallel_loop3A_218 = tpu.vector_load %arg18[%parallel_loop3A_216, %parallel_loop3A_217] {strides = array<i32>} : memref<80x128xf32, #tpu.memory_space<vmem>>, vector<16xf32>,
          tpu.vector_store %arg18[%parallel_loop3A_216, %parallel_loop3A_217], %parallel_loop3A_215 {strides = array<i32>} : memref<80x128xf32, #tpu.memory_space<vmem>>, vector<16xf32>,
          %parallel_loop3A_219 = arith.index_cast %parallel_loop3A_161 : i32 to index
          %parallel_loop3A_220 = arith.constant 64 : index
          %parallel_loop3A_221 = tpu.vector_load %arg18[%parallel_loop3A_219, %parallel_loop3A_220] {strides = array<i32>} : memref<80x128xf32, #tpu.memory_space<vmem>>, vector<16xf32>,
          %parallel_loop3A_222 = arith.index_cast %parallel_loop3A_161 : i32 to index
          %parallel_loop3A_223 = arith.constant 64 : index
          %parallel_loop3A_224 = tpu.vector_load %arg19[%parallel_loop3A_222, %parallel_loop3A_223] {strides = array<i32>} : memref<80x128xf32, #tpu.memory_space<vmem>>, vector<16xf32>,
          %parallel_loop3A_225 = arith.addf %parallel_loop3A_221, %parallel_loop3A_224 : vector<16xf32>
          %parallel_loop3A_226 = arith.mulf %parallel_loop3A_225, %parallel_loop3A_174 : vector<16xf32>
          %parallel_loop3A_227 = arith.index_cast %parallel_loop3A_161 : i32 to index
          %parallel_loop3A_228 = arith.constant 64 : index
          %parallel_loop3A_229 = tpu.vector_load %arg18[%parallel_loop3A_227, %parallel_loop3A_228] {strides = array<i32>} : memref<80x128xf32, #tpu.memory_space<vmem>>, vector<16xf32>,
          tpu.vector_store %arg18[%parallel_loop3A_227, %parallel_loop3A_228], %parallel_loop3A_226 {strides = array<i32>} : memref<80x128xf32, #tpu.memory_space<vmem>>, vector<16xf32>,
          %parallel_loop3A_230 = arith.index_cast %parallel_loop3A_161 : i32 to index
          %parallel_loop3A_231 = arith.constant 80 : index
          %parallel_loop3A_232 = tpu.vector_load %arg18[%parallel_loop3A_230, %parallel_loop3A_231] {strides = array<i32>} : memref<80x128xf32, #tpu.memory_space<vmem>>, vector<16xf32>,
          %parallel_loop3A_233 = arith.index_cast %parallel_loop3A_161 : i32 to index
          %parallel_loop3A_234 = arith.constant 80 : index
          %parallel_loop3A_235 = tpu.vector_load %arg19[%parallel_loop3A_233, %parallel_loop3A_234] {strides = array<i32>} : memref<80x128xf32, #tpu.memory_space<vmem>>, vector<16xf32>,
          %parallel_loop3A_236 = arith.addf %parallel_loop3A_232, %parallel_loop3A_235 : vector<16xf32>
          %parallel_loop3A_237 = arith.mulf %parallel_loop3A_236, %parallel_loop3A_174 : vector<16xf32>
          %parallel_loop3A_238 = arith.index_cast %parallel_loop3A_161 : i32 to index
          %parallel_loop3A_239 = arith.constant 80 : index
          %parallel_loop3A_240 = tpu.vector_load %arg18[%parallel_loop3A_238, %parallel_loop3A_239] {strides = array<i32>} : memref<80x128xf32, #tpu.memory_space<vmem>>, vector<16xf32>,
          tpu.vector_store %arg18[%parallel_loop3A_238, %parallel_loop3A_239], %parallel_loop3A_237 {strides = array<i32>} : memref<80x128xf32, #tpu.memory_space<vmem>>, vector<16xf32>,
          %parallel_loop3A_241 = arith.index_cast %parallel_loop3A_161 : i32 to index
          %parallel_loop3A_242 = arith.constant 96 : index
          %parallel_loop3A_243 = tpu.vector_load %arg18[%parallel_loop3A_241, %parallel_loop3A_242] {strides = array<i32>} : memref<80x128xf32, #tpu.memory_space<vmem>>, vector<16xf32>,
          %parallel_loop3A_244 = arith.index_cast %parallel_loop3A_161 : i32 to index
          %parallel_loop3A_245 = arith.constant 96 : index
          %parallel_loop3A_246 = tpu.vector_load %arg19[%parallel_loop3A_244, %parallel_loop3A_245] {strides = array<i32>} : memref<80x128xf32, #tpu.memory_space<vmem>>, vector<16xf32>,
          %parallel_loop3A_247 = arith.addf %parallel_loop3A_243, %parallel_loop3A_246 : vector<16xf32>
          %parallel_loop3A_248 = arith.mulf %parallel_loop3A_247, %parallel_loop3A_174 : vector<16xf32>
          %parallel_loop3A_249 = arith.index_cast %parallel_loop3A_161 : i32 to index
          %parallel_loop3A_250 = arith.constant 96 : index
          %parallel_loop3A_251 = tpu.vector_load %arg18[%parallel_loop3A_249, %parallel_loop3A_250] {strides = array<i32>} : memref<80x128xf32, #tpu.memory_space<vmem>>, vector<16xf32>,
          tpu.vector_store %arg18[%parallel_loop3A_249, %parallel_loop3A_250], %parallel_loop3A_248 {strides = array<i32>} : memref<80x128xf32, #tpu.memory_space<vmem>>, vector<16xf32>,
          %parallel_loop3A_252 = arith.index_cast %parallel_loop3A_161 : i32 to index
          %parallel_loop3A_253 = arith.constant 112 : index
          %parallel_loop3A_254 = tpu.vector_load %arg18[%parallel_loop3A_252, %parallel_loop3A_253] {strides = array<i32>} : memref<80x128xf32, #tpu.memory_space<vmem>>, vector<16xf32>,
          %parallel_loop3A_255 = arith.index_cast %parallel_loop3A_161 : i32 to index
          %parallel_loop3A_256 = arith.constant 112 : index
          %parallel_loop3A_257 = tpu.vector_load %arg19[%parallel_loop3A_255, %parallel_loop3A_256] {strides = array<i32>} : memref<80x128xf32, #tpu.memory_space<vmem>>, vector<16xf32>,
          %parallel_loop3A_258 = arith.addf %parallel_loop3A_254, %parallel_loop3A_257 : vector<16xf32>
          %parallel_loop3A_259 = arith.mulf %parallel_loop3A_258, %parallel_loop3A_174 : vector<16xf32>
          %parallel_loop3A_260 = arith.index_cast %parallel_loop3A_161 : i32 to index
          %parallel_loop3A_261 = arith.constant 112 : index
          %parallel_loop3A_262 = tpu.vector_load %arg18[%parallel_loop3A_260, %parallel_loop3A_261] {strides = array<i32>} : memref<80x128xf32, #tpu.memory_space<vmem>>, vector<16xf32>,
          tpu.vector_store %arg18[%parallel_loop3A_260, %parallel_loop3A_261], %parallel_loop3A_259 {strides = array<i32>} : memref<80x128xf32, #tpu.memory_space<vmem>>, vector<16xf32>,
        } {sc.loop_unroll_factor = 4 : i64, sc.parallel_access}
        "tpu.region"() ({
          %run_scoped3A = tpu.sem_alloc : memref<!tpu.dma_semaphore, #tpu.memory_space<semaphore_mem>>
          %dma_start3A_161 = arith.constant 0 : i32
          %dma_start3A_162 = arith.constant 0 : i32
          %dma_start3A_163 = tpu.memref_slice %arg21[%dma_start3A_161, %dma_start3A_162] : memref<10112x128xf32, #tpu.memory_space<vmem_shared>> -> memref<10112x128xf32, #tpu.memory_space<vmem_shared>>
          tpu.enqueue_indirect_dma source(%arg18 : memref<80x128xf32, #tpu.memory_space<vmem>>) target(%dma_start3A_163 : memref<10112x128xf32, #tpu.memory_space<vmem_shared>>) offsets(%arg16 : memref<80xi32, #tpu.memory_space<vmem>>) semaphore(%run_scoped3A : memref<!tpu.dma_semaphore, #tpu.memory_space<semaphore_mem>>) {add = true}
          %dma_wait3A_164 = arith.constant 0 : i32
          %dma_wait3A_165 = arith.constant 0 : i32
          %dma_wait3A_166 = tpu.memref_slice %arg21[%dma_wait3A_164, %dma_wait3A_165] : memref<10112x128xf32, #tpu.memory_space<vmem_shared>> -> memref<10112x128xf32, #tpu.memory_space<vmem_shared>>
          tpu.wait_indirect_dma semaphore(%run_scoped3A : memref<!tpu.dma_semaphore, #tpu.memory_space<semaphore_mem>>) src(%arg18 : memref<80x128xf32, #tpu.memory_space<vmem>>) dst(%dma_wait3A_166 : memref<10112x128xf32, #tpu.memory_space<vmem_shared>>)
          tpu.yield
        }) : () -> ()
      }
      %scan3A_44 = arith.constant 25 : i32
    }
    %scan3A_29 = arith.constant 5 : i32
    %barrier3A_30 = arith.constant 0 : index
    tpu.barrier barrier_id(%barrier3A_30)
    %mul3A_31 = arith.constant 632 : i32
    %mul3A_32 = arith.muli %arg1, %mul3A_31 : i32
    "tpu.region"() ({
      %run_scoped3A = tpu.sem_alloc : memref<!tpu.dma_semaphore, #tpu.memory_space<semaphore_mem>>
      %dma_start3A = arith.constant 0 : i32
      %dma_start3A_33 = arith.constant 0 : i32
      %dma_start3A_34 = tpu.memref_slice %arg9[%arg0, %arg1, %dma_start3A, %dma_start3A_33] : memref<2x16x632x128xf32, #tpu.memory_space<hbm>> -> memref<1x1x632x128xf32, #tpu.memory_space<hbm>>
      %dma_start3A_35 = tpu.memref_squeeze %dma_start3A_34 : memref<1x1x632x128xf32, #tpu.memory_space<hbm>> -> memref<632x128xf32, #tpu.memory_space<hbm>>
      %dma_start3A_36 = arith.constant 0 : i32
      %dma_start3A_37 = tpu.memref_slice %arg21[%mul3A_32, %dma_start3A_36] : memref<10112x128xf32, #tpu.memory_space<vmem_shared>> -> memref<632x128xf32, #tpu.memory_space<vmem_shared>>
      tpu.enqueue_dma source(%dma_start3A_37 : memref<632x128xf32, #tpu.memory_space<vmem_shared>>) target(%dma_start3A_35 : memref<632x128xf32, #tpu.memory_space<hbm>>) target_semaphore(%run_scoped3A : memref<!tpu.dma_semaphore, #tpu.memory_space<semaphore_mem>>)
      %dma_wait3A = arith.constant 0 : i32
      %dma_wait3A_38 = arith.constant 0 : i32
      %dma_wait3A_39 = tpu.memref_slice %arg9[%arg0, %arg1, %dma_wait3A, %dma_wait3A_38] : memref<2x16x632x128xf32, #tpu.memory_space<hbm>> -> memref<1x1x632x128xf32, #tpu.memory_space<hbm>>
      %dma_wait3A_40 = tpu.memref_squeeze %dma_wait3A_39 : memref<1x1x632x128xf32, #tpu.memory_space<hbm>> -> memref<632x128xf32, #tpu.memory_space<hbm>>
      %dma_wait3A_41 = arith.constant 0 : i32
      %dma_wait3A_42 = tpu.memref_slice %arg21[%mul3A_32, %dma_wait3A_41] : memref<10112x128xf32, #tpu.memory_space<vmem_shared>> -> memref<632x128xf32, #tpu.memory_space<vmem_shared>>
      tpu.wait_dma2 semaphore(%run_scoped3A : memref<!tpu.dma_semaphore, #tpu.memory_space<semaphore_mem>>) src(%dma_wait3A_42 : memref<632x128xf32, #tpu.memory_space<vmem_shared>>) dst(%dma_wait3A_40 : memref<632x128xf32, #tpu.memory_space<hbm>>)
      tpu.yield
    }) : () -> ()
    "tpu.region"() ({
      %run_scoped3A = tpu.sem_alloc : memref<!tpu.dma_semaphore, #tpu.memory_space<semaphore_mem>>
      %dma_start3A = arith.constant 0 : i32
      %dma_start3A_33 = tpu.memref_slice %arg10[%arg0, %arg1, %dma_start3A] : memref<2x16x10112xf32, #tpu.memory_space<hbm>> -> memref<1x1x10112xf32, #tpu.memory_space<hbm>>
      %dma_start3A_34 = tpu.memref_squeeze %dma_start3A_33 : memref<1x1x10112xf32, #tpu.memory_space<hbm>> -> memref<10112xf32, #tpu.memory_space<hbm>>
      %dma_start3A_35 = arith.constant 0 : i32
      %dma_start3A_36 = tpu.memref_slice %arg10[%arg0, %arg1, %dma_start3A_35] : memref<2x16x10112xf32, #tpu.memory_space<hbm>> -> memref<1x1x10112xf32, #tpu.memory_space<hbm>>
      %dma_start3A_37 = tpu.memref_squeeze %dma_start3A_36 : memref<1x1x10112xf32, #tpu.memory_space<hbm>> -> memref<10112xf32, #tpu.memory_space<hbm>>
      tpu.enqueue_dma source(%arg20 : memref<10112xf32, #tpu.memory_space<vmem>>) target(%dma_start3A_37 : memref<10112xf32, #tpu.memory_space<hbm>>) target_semaphore(%run_scoped3A : memref<!tpu.dma_semaphore, #tpu.memory_space<semaphore_mem>>)
      %dma_wait3A = arith.constant 0 : i32
      %dma_wait3A_38 = tpu.memref_slice %arg10[%arg0, %arg1, %dma_wait3A] : memref<2x16x10112xf32, #tpu.memory_space<hbm>> -> memref<1x1x10112xf32, #tpu.memory_space<hbm>>
      %dma_wait3A_39 = tpu.memref_squeeze %dma_wait3A_38 : memref<1x1x10112xf32, #tpu.memory_space<hbm>> -> memref<10112xf32, #tpu.memory_space<hbm>>
      %dma_wait3A_40 = arith.constant 0 : i32
      %dma_wait3A_41 = tpu.memref_slice %arg10[%arg0, %arg1, %dma_wait3A_40] : memref<2x16x10112xf32, #tpu.memory_space<hbm>> -> memref<1x1x10112xf32, #tpu.memory_space<hbm>>
      %dma_wait3A_42 = tpu.memref_squeeze %dma_wait3A_41 : memref<1x1x10112xf32, #tpu.memory_space<hbm>> -> memref<10112xf32, #tpu.memory_space<hbm>>
      tpu.wait_dma2 semaphore(%run_scoped3A : memref<!tpu.dma_semaphore, #tpu.memory_space<semaphore_mem>>) src(%arg20 : memref<10112xf32, #tpu.memory_space<vmem>>) dst(%dma_wait3A_42 : memref<10112xf32, #tpu.memory_space<hbm>>)
      tpu.yield
    }) : () -> ()
    return
  }
}

module attributes {stable_mosaic.version = 14 : i64} {
  func.func @_tc_combine_body(%arg0: memref<2x10112x128xf32, #tpu.memory_space<vmem>>, %arg1: memref<32x10112xf32, #tpu.memory_space<vmem>>, %arg2: memref<10112x128xf32, #tpu.memory_space<vmem>>, %arg3: memref<10112x128xf32, #tpu.memory_space<vmem>>) attributes {dimension_semantics = [], scalar_prefetch = 0 : i64, scratch_operands = 0 : i64, tpu.core_type = #tpu.core_type<tc>} {
    %get3A = arith.constant 0 : index
    %get3A_0 = arith.constant 0 : index
    %get3A_1 = arith.constant 0 : index
    %get3A_2 = vector.load %arg0[%get3A, %get3A_0, %get3A_1] : memref<2x10112x128xf32, #tpu.memory_space<vmem>>, vector<2x10112x128xf32>
    %slice3A = vector.extract_strided_slice %get3A_2 {offsets = [0, 0, 0], sizes = [1, 10112, 128], strides = [1, 1, 1]} : vector<2x10112x128xf32> to vector<1x10112x128xf32>
    %squeeze3A = vector.shape_cast %slice3A : vector<1x10112x128xf32> to vector<10112x128xf32>
    %slice3A_3 = vector.extract_strided_slice %get3A_2 {offsets = [1, 0, 0], sizes = [1, 10112, 128], strides = [1, 1, 1]} : vector<2x10112x128xf32> to vector<1x10112x128xf32>
    %squeeze3A_4 = vector.shape_cast %slice3A_3 : vector<1x10112x128xf32> to vector<10112x128xf32>
    %add3A = arith.addf %squeeze3A, %squeeze3A_4 : vector<10112x128xf32>
    %get3A_5 = arith.constant 0 : index
    %get3A_6 = arith.constant 0 : index
    %get3A_7 = vector.load %arg1[%get3A_5, %get3A_6] : memref<32x10112xf32, #tpu.memory_space<vmem>>, vector<32x10112xf32>
    %reduce_sum3A = arith.constant dense<0.000000e+00> : vector<10112xf32>
    %reduce_sum3A_8 = vector.multi_reduction <add>, %get3A_7, %reduce_sum3A [0] : vector<32x10112xf32> to vector<10112xf32>
    %broadcast_in_dim3A = vector.shape_cast %reduce_sum3A_8 : vector<10112xf32> to vector<10112x1xf32>
    %gt3A = arith.constant 0.000000e+00 : f32
    %gt3A_9 = vector.broadcast %gt3A : f32 to vector<10112x1xf32>
    %gt3A_10 = arith.cmpf ogt, %broadcast_in_dim3A, %gt3A_9 : vector<10112x1xf32>
    %div3A = vector.broadcast %broadcast_in_dim3A : vector<10112x1xf32> to vector<10112x128xf32>
    %div3A_11 = arith.divf %add3A, %div3A : vector<10112x128xf32>
    %get3A_12 = arith.constant 0 : index
    %get3A_13 = arith.constant 0 : index
    %get3A_14 = vector.load %arg2[%get3A_12, %get3A_13] : memref<10112x128xf32, #tpu.memory_space<vmem>>, vector<10112x128xf32>
    %broadcast_in_dim3A_15 = vector.shape_cast %gt3A_10 : vector<10112x1xi1> to vector<10112x1xi1>
    %broadcast_in_dim3A_16 = vector.broadcast %broadcast_in_dim3A_15 : vector<10112x1xi1> to vector<10112x128xi1>
    %select_n3A = arith.select %broadcast_in_dim3A_16, %div3A_11, %get3A_14 : vector<10112x128xi1>, vector<10112x128xf32>
    %swap3A = arith.constant 0 : index
    %swap3A_17 = arith.constant 0 : index
    %swap3A_18 = vector.load %arg3[%swap3A, %swap3A_17] : memref<10112x128xf32, #tpu.memory_space<vmem>>, vector<10112x128xf32>
    tpu.vector_store %arg3[%swap3A, %swap3A_17], %select_n3A {strides = array<i32>} : memref<10112x128xf32, #tpu.memory_space<vmem>>, vector<10112x128xf32>,
    return
  }
}

module attributes {stable_mosaic.version = 14 : i64} {
  func.func @_tc_pre_body(%arg0: memref<10112x128xf32, #tpu.memory_space<vmem>>, %arg1: memref<128x128xf32, #tpu.memory_space<vmem>>, %arg2: memref<128x128xf32, #tpu.memory_space<vmem>>, %arg3: memref<64x128xf32, #tpu.memory_space<vmem>>, %arg4: memref<1x128xf32, #tpu.memory_space<vmem>>, %arg5: memref<1x128xf32, #tpu.memory_space<vmem>>, %arg6: memref<3x128xf32, #tpu.memory_space<vmem>>, %arg7: memref<10112x128xf32, #tpu.memory_space<vmem>>, %arg8: memref<1x10112xf32, #tpu.memory_space<vmem>>, %arg9: memref<64x128xf32, #tpu.memory_space<vmem>>, %arg10: memref<1x64xf32, #tpu.memory_space<vmem>>) attributes {dimension_semantics = [], scalar_prefetch = 0 : i64, scratch_operands = 0 : i64, tpu.core_type = #tpu.core_type<tc>} {
    %get3A = arith.constant 0 : index
    %get3A_0 = arith.constant 0 : index
    %get3A_1 = vector.load %arg0[%get3A, %get3A_0] : memref<10112x128xf32, #tpu.memory_space<vmem>>, vector<10112x128xf32>
    %get3A_2 = arith.constant 0 : index
    %get3A_3 = arith.constant 0 : index
    %get3A_4 = vector.load %arg1[%get3A_2, %get3A_3] : memref<128x128xf32, #tpu.memory_space<vmem>>, vector<128x128xf32>
    %dot_general3A = arith.constant dense<0.000000e+00> : vector<10112x128xf32>
    %dot_general3A_5 = tpu.matmul %get3A_1, %get3A_4, %dot_general3A {dimension_numbers = #tpu.dot_dimension_numbers<[1], [0], [0], [1], [0, 0, 1, 1], [], []>, transpose_lhs_hint = false} : vector<10112x128xf32>, vector<128x128xf32>, vector<10112x128xf32> -> vector<10112x128xf32>
    %get3A_6 = arith.constant 0 : index
    %get3A_7 = arith.constant 0 : index
    %get3A_8 = vector.load %arg4[%get3A_6, %get3A_7] : memref<1x128xf32, #tpu.memory_space<vmem>>, vector<1x128xf32>
    %add3A = vector.broadcast %get3A_8 : vector<1x128xf32> to vector<10112x128xf32>
    %add3A_9 = arith.addf %dot_general3A_5, %add3A : vector<10112x128xf32>
    %swap3A = arith.constant 0 : index
    %swap3A_10 = arith.constant 0 : index
    %swap3A_11 = vector.load %arg7[%swap3A, %swap3A_10] : memref<10112x128xf32, #tpu.memory_space<vmem>>, vector<10112x128xf32>
    tpu.vector_store %arg7[%swap3A, %swap3A_10], %add3A_9 {strides = array<i32>} : memref<10112x128xf32, #tpu.memory_space<vmem>>, vector<10112x128xf32>,
    %get3A_12 = arith.constant 0 : index
    %get3A_13 = arith.constant 0 : index
    %get3A_14 = vector.load %arg6[%get3A_12, %get3A_13] : memref<3x128xf32, #tpu.memory_space<vmem>>, vector<3x128xf32>
    %slice3A = vector.extract_strided_slice %get3A_14 {offsets = [0, 0], sizes = [1, 128], strides = [1, 1]} : vector<3x128xf32> to vector<1x128xf32>
    %dot_general3A_15 = arith.constant dense<0.000000e+00> : vector<1x10112xf32>
    %dot_general3A_16 = tpu.matmul %slice3A, %get3A_1, %dot_general3A_15 {dimension_numbers = #tpu.dot_dimension_numbers<[1], [1], [0], [0], [0, 0, 1, 0], [], []>, transpose_lhs_hint = false} : vector<1x128xf32>, vector<10112x128xf32>, vector<1x10112xf32> -> vector<1x10112xf32>
    %swap3A_17 = arith.constant 0 : index
    %swap3A_18 = arith.constant 0 : index
    %swap3A_19 = vector.load %arg8[%swap3A_17, %swap3A_18] : memref<1x10112xf32, #tpu.memory_space<vmem>>, vector<1x10112xf32>
    tpu.vector_store %arg8[%swap3A_17, %swap3A_18], %dot_general3A_16 {strides = array<i32>} : memref<1x10112xf32, #tpu.memory_space<vmem>>, vector<1x10112xf32>,
    %get3A_20 = arith.constant 0 : index
    %get3A_21 = arith.constant 0 : index
    %get3A_22 = vector.load %arg3[%get3A_20, %get3A_21] : memref<64x128xf32, #tpu.memory_space<vmem>>, vector<64x128xf32>
    %get3A_23 = arith.constant 0 : index
    %get3A_24 = arith.constant 0 : index
    %get3A_25 = vector.load %arg2[%get3A_23, %get3A_24] : memref<128x128xf32, #tpu.memory_space<vmem>>, vector<128x128xf32>
    %dot_general3A_26 = arith.constant dense<0.000000e+00> : vector<64x128xf32>
    %dot_general3A_27 = tpu.matmul %get3A_22, %get3A_25, %dot_general3A_26 {dimension_numbers = #tpu.dot_dimension_numbers<[1], [0], [0], [1], [0, 0, 1, 1], [], []>, transpose_lhs_hint = false} : vector<64x128xf32>, vector<128x128xf32>, vector<64x128xf32> -> vector<64x128xf32>
    %get3A_28 = arith.constant 0 : index
    %get3A_29 = arith.constant 0 : index
    %get3A_30 = vector.load %arg5[%get3A_28, %get3A_29] : memref<1x128xf32, #tpu.memory_space<vmem>>, vector<1x128xf32>
    %add3A_31 = vector.broadcast %get3A_30 : vector<1x128xf32> to vector<64x128xf32>
    %add3A_32 = arith.addf %dot_general3A_27, %add3A_31 : vector<64x128xf32>
    %swap3A_33 = arith.constant 0 : index
    %swap3A_34 = arith.constant 0 : index
    %swap3A_35 = vector.load %arg9[%swap3A_33, %swap3A_34] : memref<64x128xf32, #tpu.memory_space<vmem>>, vector<64x128xf32>
    tpu.vector_store %arg9[%swap3A_33, %swap3A_34], %add3A_32 {strides = array<i32>} : memref<64x128xf32, #tpu.memory_space<vmem>>, vector<64x128xf32>,
    %slice3A_36 = vector.extract_strided_slice %get3A_14 {offsets = [2, 0], sizes = [1, 128], strides = [1, 1]} : vector<3x128xf32> to vector<1x128xf32>
    %dot_general3A_37 = arith.constant dense<0.000000e+00> : vector<1x64xf32>
    %dot_general3A_38 = tpu.matmul %slice3A_36, %get3A_22, %dot_general3A_37 {dimension_numbers = #tpu.dot_dimension_numbers<[1], [1], [0], [0], [0, 0, 1, 0], [], []>, transpose_lhs_hint = false} : vector<1x128xf32>, vector<64x128xf32>, vector<1x64xf32> -> vector<1x64xf32>
    %swap3A_39 = arith.constant 0 : index
    %swap3A_40 = arith.constant 0 : index
    %swap3A_41 = vector.load %arg10[%swap3A_39, %swap3A_40] : memref<1x64xf32, #tpu.memory_space<vmem>>, vector<1x64xf32>
    tpu.vector_store %arg10[%swap3A_39, %swap3A_40], %dot_general3A_38 {strides = array<i32>} : memref<1x64xf32, #tpu.memory_space<vmem>>, vector<1x64xf32>,
    return
  }
}

</mosaic_0001>

<sc_bundles>
// kernel: kernel.5.cloned.1.call-start
scs
__scs_entry_jumppad:
0x0: {  	(pc) =	sbr.rel $0x88, $3  }
0x1: {  	(tag) =	ssettag $0x0;
	lr =	simm.s32 $0x1  }
0x2: {  	[smem:$0x3F98] =	sst lr;
	_ =	strace $0xD0000000  }
0x3: {  	_ = 	snop  }
0x4: {  	_ = 	snop  }
0x5: {  	_ = 	snop  }
0x6: {  	_ = 	snop  }
0x7: {  	_ = 	snop  }
__scs_overlays_trampoline_lowered:
0x8: {  	[smem:$0x3FA7] =	sst s0  }
0x9: {  	[smem:$0x3FA8] =	sst s1  }
0xa: {  	[smem:$0x3FA9] =	sst s2  }
0xb: {  	[smem:$0x3FAA] =	sst s3  }
0xc: {  	[smem:$0x3FAB] =	sst s4  }
0xd: {  	[smem:$0x3FAC] =	sst s5  }
0xe: {  	[smem:$0x3FAD] =	sst s6  }
0xf: {  	[smem:$0x3FAE] =	sst s7  }
0x10: {  	[smem:$0x3FAF] =	sst s8  }
0x11: {  	[smem:$0x3FB0] =	sst s9;
	s0 =	simm.s32 @!p0 $0x0  }
0x12: {  	s1 =	sld [smem:$0x3F96];
	s0 =	simm.s32 @p0 $0x1  }
0x13: {  	[smem:$0x3FB1] =	sst s0;
	s0 =	simm.s32 @!p1 $0x0  }
0x14: {  	s2 =	sld [smem:$0x3F95];
	s0 =	simm.s32 @p1 $0x1  }
0x15: {  	[smem:$0x3FB2] =	sst s0;
	s0 =	simm.s32 @!p2 $0x0  }
0x16: {  	s3 =	sld [smem:$0x3FDB];
	s0 =	simm.s32 @p2 $0x1  }
0x17: {  	s4 =	simm.s32 $0x1BF5;
	[smem:$0x3FB4] =	sst s0  }
0x18: {  	s0 =	sld [smem:$0x3F97];
	_ =	swait.ge [sflag:s4], $0x0  }
0x19: {  	s7 =	sld [smem:$0x3F98]  }
0x1a: {  	s8 =	sadd.s32 $0xFFFFE003, lr  }
0x1b: {  	s9 =	sadd.s32 $0xFFFFFEF7, lr;
	s5 =	simm.s32 $0xFFFFFFFF;
	p2 =	slt.u32 s8, $0xFFFFF086  }
0x1c: {  	p1 =	slt.u32 s9, $0xF7A;
	s5 =	simm.s32 @!p2 $0x0  }
0x1d: {  	s5 =	simm.s32 @p1 $0x1;
	p0 =	seq.s32 s7, s2  }
0x1e: {  	s7 =	smul.u32 @!p0 $0xF7A, s2;
	p2 =	seq.s32 @!p0 s5, $0x0  }
0x1f: {  	s9 =	smul.u32 $0xF7A, s1;
	s8 =	simm.s32 @!p0 $0x1BF5;
	p2 =	por !p2, p0  }
0x20: {  	[sflag:s8] =	ssyncset.s32 @!p0 $0xFFFFF086;
	s6 =	sadd.s32 @!p0 s3, s7;
	s7 =	simm.s32 @!p0 $0x108  }
0x21: {  	s3 =	sadd.s32 s3, s9;
	s6 =	sadd.s32 @!p0 $0x88, s6;
	s7 =	simm.s32 @p2 $0x1082  }
0x22: {  	[simem:s7], [sflag:s8] =	dma.local @!p0 [hbm:s6], $0xF7A  }
0x23: {  	s9 =	sor.u32 $0xD0000000, s2;
	s6 =	simm.s32 $0x108;
	_ =	swait.ge @!p0 [sflag:s8], $0x0  }
0x24: {  	s3 =	sadd.s32 $0x88, s3;
	s6 =	simm.s32 @!p1 $0x1082;
	[sflag:s4] =	ssyncset.s32 $0xFFFFF086  }
0x25: {  	[simem:s6], [sflag:s4] =	dma.local [hbm:s3], $0xF7A  }
0x26: {  	[smem:$0x3F98] =	sst s1;
	(tag) =	ssettag s2;
	_ =	strace s9  }
0x27: {  	s1 =	sld [smem:$0x3FA8]  }
0x28: {  	s2 =	sld [smem:$0x3FA9]  }
0x29: {  	s4 =	sld [smem:$0x3FAB]  }
0x2a: {  	p0 =	seq.s32 s5, $0x0;
	s5 =	sld [smem:$0x3FAC]  }
0x2b: {  	s6 =	sld [smem:$0x3FAD]  }
0x2c: {  	s7 =	sld [smem:$0x3FAE]  }
0x2d: {  	s3 =	simm.s32 $0x108;
	s8 =	sld [smem:$0x3FAF]  }
0x2e: {  	s3 =	simm.s32 @!p0 $0x1082;
	s9 =	sld [smem:$0x3FB0]  }
0x2f: {  	lr =	sadd.s32 s0, s3;
	s0 =	sld [smem:$0x3FA7]  }
0x30: {  	s3 =	sld [smem:$0x3FAA]  }
0x31: {  	[smem:$0x3FB3] =	sst s10  }
0x32: {  	s10 =	sld [smem:$0x3FB1];
	_ =	sdelay $0x3  }
0x33: {  	p0 =	seq.s32 s10, $0x1;
	s10 =	sld [smem:$0x3FB3];
	_ =	sdelay $0x3  }
0x34: {  	[smem:$0x3FB3] =	sst s10  }
0x35: {  	s10 =	sld [smem:$0x3FB2];
	_ =	sdelay $0x3  }
0x36: {  	p1 =	seq.s32 s10, $0x1;
	s10 =	sld [smem:$0x3FB3];
	_ =	sdelay $0x3  }
0x37: {  	[smem:$0x3FB3] =	sst s10  }
0x38: {  	s10 =	sld [smem:$0x3FB4]  }
0x39: {  	_ = 	snop;
	(pc) =	sbr.ind lr, $3  }
0x3a: {  	_ = 	snop  }
0x3b: {  	_ = 	snop  }
0x3c: {  	p2 =	seq.s32 s10, $0x1;
	s10 =	sld [smem:$0x3FB3]  }
0x3d: {  	_ =	shalt  }
0x3e: {  	_ =	shalt  }
0x3f: {  	_ =	shalt  }
0x40: {  	_ =	shalt  }
0x41: {  	_ =	shalt  }
0x42: {  	_ =	shalt  }
0x43: {  	_ =	shalt  }
0x44: {  	_ =	shalt  }
0x45: {  	_ =	shalt  }
0x46: {  	_ =	shalt  }
0x47: {  	_ =	shalt  }
0x48: {  	_ =	shalt  }
0x49: {  	_ =	shalt  }
0x4a: {  	_ =	shalt  }
0x4b: {  	_ =	shalt  }
0x4c: {  	_ =	shalt  }
0x4d: {  	_ =	shalt  }
0x4e: {  	_ =	shalt  }
0x4f: {  	_ =	shalt  }
0x50: {  	_ =	shalt  }
0x51: {  	_ =	shalt  }
0x52: {  	_ =	shalt  }
0x53: {  	_ =	shalt  }
0x54: {  	_ =	shalt  }
0x55: {  	_ =	shalt  }
0x56: {  	_ =	shalt  }
0x57: {  	_ =	shalt  }
0x58: {  	_ =	shalt  }
0x59: {  	_ =	shalt  }
0x5a: {  	_ =	shalt  }
0x5b: {  	_ =	shalt  }
0x5c: {  	_ =	shalt  }
0x5d: {  	_ =	shalt  }
0x5e: {  	_ =	shalt  }
0x5f: {  	_ =	shalt  }
0x60: {  	_ =	shalt  }
0x61: {  	_ =	shalt  }
0x62: {  	_ =	shalt  }
0x63: {  	_ =	shalt  }
0x64: {  	_ =	shalt  }
0x65: {  	_ =	shalt  }
0x66: {  	_ =	shalt  }
0x67: {  	_ =	shalt  }
0x68: {  	_ =	shalt  }
0x69: {  	_ =	shalt  }
0x6a: {  	_ =	shalt  }
0x6b: {  	_ =	shalt  }
0x6c: {  	_ =	shalt  }
0x6d: {  	_ =	shalt  }
0x6e: {  	_ =	shalt  }
0x6f: {  	_ =	shalt  }
0x70: {  	_ =	shalt  }
0x71: {  	_ =	shalt  }
0x72: {  	_ =	shalt  }
0x73: {  	_ =	shalt  }
0x74: {  	_ =	shalt  }
0x75: {  	_ =	shalt  }
0x76: {  	_ =	shalt  }
0x77: {  	_ =	shalt  }
0x78: {  	_ =	shalt  }
0x79: {  	_ =	shalt  }
0x7a: {  	_ =	shalt  }
0x7b: {  	_ =	shalt  }
0x7c: {  	_ =	shalt  }
0x7d: {  	_ =	shalt  }
0x7e: {  	_ =	shalt  }
0x7f: {  	_ =	shalt  }
0x80: {  	_ =	shalt  }
0x81: {  	_ =	shalt  }
0x82: {  	_ =	shalt  }
0x83: {  	_ =	shalt  }
0x84: {  	_ =	shalt  }
0x85: {  	_ =	shalt  }
0x86: {  	_ =	shalt  }
0x87: {  	_ =	shalt  }
.Lfunc_end0:
.L_simem_size_0:
called_computation_lowered:
.L_overlay_start_0:
0x88: {  	s2 =	sld [smem:$0x3FD9]  }
0x89: {  	s3 =	sld [smem:$0x3FFE];
	_ =	sdelay $0x1  }
0x8a: {  	s1 =	srdreg.scid  }
0x8b: {  	s0 =	sand.u32 $0x1, s1  }
0x8c: {  	s17 =	sshll.u32 s0, $0xA;
	s2 =	sadd.s32 s3, s2  }
0x8d: {  	s2 =	sadd.s32 s2, s17  }
0x8e: {  	[smem:$0x3FBF] =	sst s2  }
0x8f: {  	_ = 	snop  }
0x90: {  	s2 =	sld [smem:$0x3FC6]  }
0x91: {  	s18 =	sld [smem:$0x3FD0];
	(tm) =	ssettm $0x1  }
0x92: {  	s4 =	sld [smem:$0x3FFB];
	_ =	sdelay $0x3  }
0x93: {  	_ =	strace s4  }
0x94: {  	s4 =	sld [smem:$0x3FFC];
	_ =	sdelay $0x3  }
0x95: {  	_ =	strace s4  }
0x96: {  	s4 =	sld [smem:$0x3FFD];
	_ =	sdelay $0x3  }
0x97: {  	_ =	strace s4  }
0x98: {  	_ =	strace $0x8FFFFFFF  }
0x99: {  	s19 =	sld [smem:$0x3FDB];
	_ =	sdelay $0x1  }
0x9a: {  	s5 =	simm.s32 $_scs_section_size  }
0x9b: {  	s6 =	simm.s32 $_size__tile_overlayer_lowered;
	s7 =	simm.s32 $_tile_overlayer_lowered  }
0x9c: {  	s22 =	simm.s32 $0x1BFF;
	s21 =	sshll.u32 s7, $0x1;
	s4 =	sadd.s32 s5, s19  }
0x9d: {  	s8 =	simm.s32 $0x0;
	s20 =	sshll.u32 s6, $0x1;
	s6 =	sadd.s32 s21, s4  }
0x9e: {  	[timem:s8], [sflag:s22] =	dma.local [hbm:s6], s20  }
0x9f: {  	_ =	swait.ge [sflag:s22], s20  }
0xa0: {  	s5 =	ssub.s32 $0x0, s20;
	[sflag:s22] =	ssyncset.done $0x0  }
0xa1: {  	[sflag:s22] =	ssyncadd.s32 s5;
	_ =	sdelay $0x1  }
0xa2: {  	s23 =	simm.s32 $0x1B8B  }
0xa3: {  	_ =	swait.ge [sflag:s23], $0x1  }
0xa4: {  	[sflag:s23] =	ssyncset.done $0x0  }
0xa5: {  	s25 =	simm.s32 $0x1B8E;
	s24 =	sld [smem:$0x3FFE];
	[sflag:s23] =	ssyncadd.s32 $0xFFFFFFFF  }
0xa6: {  	s26 =	simm.s32 $execute0_lowered;
	[smem:$0x3FD2] =	sst s25  }
0xa7: {  	s6 =	sshll.u32 s26, $0x1;
	_ =	strace $0x80000046;
	[dreg:$0x1] =	wrdreg $0xFFFFFFFF  }
0xa8: {  	s28 =	simm.s32 $_size_execute0_lowered;
	s4 =	sadd.s32 s4, s6;
	[dreg:$0x0] =	wrdreg $0x0  }
0xa9: {  	s6 =	sshll.u32 s28, $0x1;
	[dreg:$0x2] =	wrdreg s4  }
0xaa: {  	[dreg:$0x3] =	wrdreg s6  }
0xab: {  	[dreg:$0x4] =	wrdreg $0xC0  }
0xac: {  	_ =	task [dreg:s8], $0x5FFFF  }
0xad: {  	[dreg:$0x1] =	wrdreg $0xFFFFFFFF  }
0xae: {  	[dreg:$0x0] =	wrdreg $0x60  }
0xaf: {  	[dreg:$0x2] =	wrdreg s24  }
0xb0: {  	[dreg:$0x3] =	wrdreg s2  }
0xb1: {  	[dreg:$0x4] =	wrdreg s18  }
0xb2: {  	[dreg:$0x5] =	wrdreg $0xB8800  }
0xb3: {  	[dreg:$0x6] =	wrdreg $0x9  }
0xb4: {  	_ =	task.clear_ibuf [dreg:s8], $0x7FFFF;
	_ =	strace $0x90000046  }
0xb5: {  	s29 =	simm.s32 $0x9;
	_ =	strace $0x80000048  }
0xb6: {  	_ =	swait.ge [sflag:s29], $0x1  }
0xb7: {  	[sflag:s29] =	ssyncadd.s32 $0xFFFFFFFF  }
0xb8: {  	_ =	strace $0x90000048  }
0xb9: {  	_ =	sfence  }
0xba: {  	s30 =	sld [smem:$0x0];
	_ =	sdelay $0x2  }
0xbb: {  	s31 =	sshll.u32 s1, $0xD;
	s1 =	sshrl.u32 s1, $0x2  }
0xbc: {  	s3 =	sand.u32 $0x4000, s31;
	s1 =	sadd.s32 s1, s30  }
0xbd: {  	s0 =	sor.u32 s3, s0;
	s1 =	sshll.u32 s1, $0x11  }
0xbe: {  	s0 =	sor.u32 s1, s0  }
0xbf: {  	s0 =	sadd.s32 $0x8F2B, s0  }
0xc0: {  	[sflag:s0] =	ssyncadd.remote.s32 $0x1  }
0xc1: {  	_ =	sfence.sel $0xFFFF  }
0xc2: {  	[dreg:$0x0] =	wrdreg $0xFFFFFFFF;
	(pc) =	sbr.abs _section_cstart, $3  }
0xc3: {  	[dreg:$0x1] =	wrdreg $0xFFFFFFFF  }
0xc4: {  	_ =	task.clear_ibuf [dreg:s8], $0x2FFFF;
	_ =	strace $0x9FFFFFFF  }
0xc5: {  	(tm) =	ssettm $0x7FFFFFFF  }
tec
execute0_lowered:
.L_overlay_start_1:
0x0: {  	(tag) =	ssettag $0x1  }
0x1: {  	s0 =	rddreg [dreg:$0x0]  }
0x2: {  	s3 =	rddreg [dreg:$0x2]  }
0x3: {  	s2 =	rddreg [dreg:$0x3];
	s4 =	simm.s32 $0x0  }
0x4: {  	s5 =	srdreg.scid;
	s1 =	stileid.u32;
	s28 =	simm.s32 $0x3000  }
0x5: {  	s29 =	simm.s32 $0x3800;
	s30 =	simm.s32 $0x50;
	s31 =	simm.s32 $0x6900  }
0x6: {  	[smem:$0x7FF] =	sst s4;
	s6 =	sand.u32 $0x1, s5;
	s10 =	smul.u32 $0x13C00, s1  }
0x7: {  	s5 =	sadd.s32 $0x15000, s0;
	s8 =	sadd.s32 $0x3CE00, s0;
	s14 =	sadd.s32 $0x3CC00, s0  }
0x8: {  	s9 =	sadd.s32 $0xB200, s0;
	s11 =	smul.u32 $0x4F000, s1;
	s16 =	sshll.u32 s1, $0x7  }
0x9: {  	s7 =	smul.u32 $0x13C000, s6;
	_ =	strace $0x80000047;
	[dreg:$0x5] =	wrdreg s8  }
0xa: {  	[dreg:$0x6] =	wrdreg s14;
	s8 =	sadd.s32 $0x3C800, s0;
	s12 =	ssub.s32 $0x2, s6  }
0xb: {  	s13 =	smul.u32 $0x27800, s6;
	s14 =	sshrl.u32 s1, $0x3;
	s7 =	sadd.s32 s10, s7  }
0xc: {  	s6 =	sshll.u32 s6, $0x4;
	s15 =	sshrl.u32 s12, $0x1;
	s7 =	sshrl.u32 s7, $0x3  }
0xd: {  	s11 =	sshrl.u32 s11, $0x2;
	s10 =	sadd.s32 $0x1400, s0;
	s0 =	sadd.s32 s7, s0  }
0xe: {  	s7 =	ssub.s32 s12, s15;
	s12 =	sand.u32 $0x380, s16;
	s16 =	sadd.s32 s11, s2  }
0xf: {  	s14 =	smul.u32 $0x13C00, s14;
	s17 =	sadd.s32 $0x11800, s16;
	[dreg:$0x7] =	wrdreg s16  }
0x10: {  	s6 =	sor.u32 s1, s6;
	s0 =	sadd.s32 $0x3D400, s0;
	[dreg:$0x8] =	wrdreg s17  }
0x11: {  	s13 =	sadd.s32 s13, s14;
	s20 =	smax.u32 s7, $0x1;
	[dreg:$0x9] =	wrdreg s0  }
0x12: {  	s11 =	simm.s32 $0x0;
	s21 =	sadd.s32 $0x2800, s16;
	[dreg:$0xb] =	wrdreg s20  }
0x13: {  	s12 =	sor.u32 s12, s13;
	s22 =	sadd.s32 $0x5000, s16;
	[dreg:$0xc] =	wrdreg s21  }
0x14: {  	s13 =	smul.u32 $0x2710, s6;
	s23 =	sadd.s32 $0x7800, s16;
	[dreg:$0xd] =	wrdreg s22  }
0x15: {  	s24 =	sadd.s32 $0xA000, s16;
	s25 =	sadd.s32 $0xC800, s16;
	[dreg:$0xe] =	wrdreg s23  }
0x16: {  	s26 =	sadd.s32 $0xF000, s16;
	s6 =	simm.s32 $0x2;
	[dreg:$0xf] =	wrdreg s24  }
0x17: {  	s7 =	simm.s32 $0x4000;
	s18 =	sshrl.u32 s12, $0x3;
	[dreg:$0x10] =	wrdreg s25  }
0x18: {  	[dreg:$0x11] =	wrdreg s26;
	s23 =	simm.s32 $0x3;
	s24 =	simm.s32 $0x2780  }
0x19: {  	s25 =	simm.s32 $0x4100;
	s26 =	simm.s32 $0x2800;
	s19 =	sadd.s32 s3, s18  }
0x1a: {  	v0 =	vimm.f32 $0.0e+00;
	s0 =	simm.s32 $0x9100;
	s3 =	simm.s32 $0x1;
	[dreg:$0xa] =	wrdreg s19  }
.LBB2_1:
0x1b: {  	s1 =	rddreg [dreg:$0x5]  }
0x1c: {  	[tilespmem:s4], [sflag:$0x3] =	stream.linear.gather [hbm4b:s1+s4], $0x2780, $0x38;
	[tilespmem:$0x1F480] =	vst v63  }
0x1d: {  	_ =	swait.ge [sflag:s23], $0x2780  }
0x1e: {  	[sflag:s23] =	ssyncset.done $0x0  }
0x1f: {  	s22 =	rddreg [dreg:$0x6];
	[sflag:s23] =	ssyncadd.s32 $0xFFFFD880  }
0x20: {  	[tilespmem:s24], [sflag:$0x3] =	stream.linear.gather [hbm4b:s22+s4], $0x80, $0x38;
	[tilespmem:$0x1F480] =	vst v63  }
0x21: {  	_ =	swait.ge [sflag:s23], $0x80  }
0x22: {  	[sflag:s23] =	ssyncset.done $0x0  }
0x23: {  	s14 =	simm.s32 $0x0;
	s15 =	simm.s32 $0x200;
	[sflag:s23] =	ssyncadd.s32 $0xFFFFFF80  }
.LBB2_2:
0x24: {  	p0 =	sne.s32 s15, $0x9E00;
	[tilespmem:s14+$0x4170] =	vst v0  }
0x25: {  	[tilespmem:s14+$0x4100] =	vst v0  }
0x26: {  	[tilespmem:s14+$0x4110] =	vst v0  }
.Ltmp0:
0x27: {  	[tilespmem:s14+$0x4120] =	vst v0;
	(pc) =	sbr.rel @p0 .LBB2_2-.Ltmp0, $4  }
0x28: {  	[tilespmem:s14+$0x4130] =	vst v0  }
0x29: {  	[tilespmem:s14+$0x4140] =	vst v0  }
0x2a: {  	[tilespmem:s14+$0x4150] =	vst v0  }
0x2b: {  	[tilespmem:s14+$0x4160] =	vst v0;
	s14 =	sshra.s32 s15, $0x2;
	s15 =	sadd.s32 $0x200, s15  }
0x2c: {  	[tilespmem:s14+$0x4170] =	vst v0  }
0x2d: {  	[tilespmem:s14+$0x4100] =	vst v0  }
0x2e: {  	[tilespmem:s14+$0x4110] =	vst v0  }
0x2f: {  	[tilespmem:s14+$0x4120] =	vst v0  }
0x30: {  	[tilespmem:s14+$0x4130] =	vst v0  }
0x31: {  	[tilespmem:s14+$0x4140] =	vst v0  }
0x32: {  	[tilespmem:s14+$0x4150] =	vst v0  }
0x33: {  	[tilespmem:s14+$0x4160] =	vst v0;
	s14 =	simm.s32 $0x40;
	s15 =	simm.s32 $0x0  }
.LBB2_4:
0x34: {  	p0 =	sne.s32 s14, $0x9DC0;
	[tilespmem:s15+$0x9100] =	vst v0;
	s15 =	smov.u32 s14;
	s14 =	sadd.s32 $0x40, s14  }
.Ltmp1:
0x35: {  	(pc) =	sbr.rel @p0 .LBB2_4-.Ltmp1, $2  }
0x36: {  	_ =	sdelay $0x2  }
0x37: {  	s15 =	sshra.s32 s15, $0x2  }
0x38: {  	[dreg:$0x12] =	wrdreg s11;
	[tilespmem:s15+$0x9100] =	vst v0  }
0x39: {  	[spmem:s16] =	stream.linear.scatter [tilespmem:s25], [sflag:$0x3], $0x2800, $0x38;
	[tilespmem:$0x1F480] =	vst v63  }
0x3a: {  	_ =	swait.ge [sflag:s23], $0x2800  }
0x3b: {  	[sflag:s23] =	ssyncset.done $0x0  }
0x3c: {  	s1 =	rddreg [dreg:$0xc];
	[sflag:s23] =	ssyncadd.s32 $0xFFFFD800  }
0x3d: {  	[spmem:s1] =	stream.linear.scatter [tilespmem:s25], [sflag:$0x3], $0x2800, $0x38;
	[tilespmem:$0x1F480] =	vst v63  }
0x3e: {  	_ =	swait.ge [sflag:s23], $0x2800  }
0x3f: {  	[sflag:s23] =	ssyncset.done $0x0  }
0x40: {  	s17 =	rddreg [dreg:$0xd];
	[sflag:s23] =	ssyncadd.s32 $0xFFFFD800  }
0x41: {  	[spmem:s17] =	stream.linear.scatter [tilespmem:s25], [sflag:$0x3], $0x2800, $0x38;
	[tilespmem:$0x1F480] =	vst v63  }
0x42: {  	_ =	swait.ge [sflag:s23], $0x2800  }
0x43: {  	[sflag:s23] =	ssyncset.done $0x0  }
0x44: {  	s18 =	rddreg [dreg:$0xe];
	[sflag:s23] =	ssyncadd.s32 $0xFFFFD800  }
0x45: {  	[spmem:s18] =	stream.linear.scatter [tilespmem:s25], [sflag:$0x3], $0x2800, $0x38;
	[tilespmem:$0x1F480] =	vst v63  }
0x46: {  	_ =	swait.ge [sflag:s23], $0x2800  }
0x47: {  	[sflag:s23] =	ssyncset.done $0x0  }
0x48: {  	s19 =	rddreg [dreg:$0xf];
	[sflag:s23] =	ssyncadd.s32 $0xFFFFD800  }
0x49: {  	[spmem:s19] =	stream.linear.scatter [tilespmem:s25], [sflag:$0x3], $0x2800, $0x38;
	[tilespmem:$0x1F480] =	vst v63  }
0x4a: {  	_ =	swait.ge [sflag:s23], $0x2800  }
0x4b: {  	[sflag:s23] =	ssyncset.done $0x0  }
0x4c: {  	s20 =	rddreg [dreg:$0x10];
	[sflag:s23] =	ssyncadd.s32 $0xFFFFD800  }
0x4d: {  	[spmem:s20] =	stream.linear.scatter [tilespmem:s25], [sflag:$0x3], $0x2800, $0x38;
	[tilespmem:$0x1F480] =	vst v63  }
0x4e: {  	_ =	swait.ge [sflag:s23], $0x2800  }
0x4f: {  	[sflag:s23] =	ssyncset.done $0x0  }
0x50: {  	s21 =	rddreg [dreg:$0x11];
	[sflag:s23] =	ssyncadd.s32 $0xFFFFD800  }
0x51: {  	[spmem:s21] =	stream.linear.scatter [tilespmem:s25], [sflag:$0x3], $0x2800, $0x38;
	[tilespmem:$0x1F480] =	vst v63  }
0x52: {  	_ =	swait.ge [sflag:s23], $0x2800  }
0x53: {  	[sflag:s23] =	ssyncset.done $0x0  }
0x54: {  	s22 =	rddreg [dreg:$0x8];
	[sflag:s23] =	ssyncadd.s32 $0xFFFFD800  }
0x55: {  	[spmem:s22] =	stream.linear.scatter [tilespmem:s25], [sflag:$0x3], $0x2400, $0x38;
	[tilespmem:$0x1F480] =	vst v63  }
0x56: {  	_ =	swait.ge [sflag:s23], $0x2400  }
0x57: {  	[sflag:s23] =	ssyncset.done $0x0  }
0x58: {  	[sflag:s23] =	ssyncadd.s32 $0xFFFFDC00  }
0x59: {  	s14 =	simm.s32 $0x0;
	s15 =	simm.s32 $0x0;
	[bflag:$0x0] =	sbarrier.arrive $0xFFFF  }
.LBB2_6:
0x5a: {  	s16 =	smul.u32 $0x7D0, s15;
	_ =	sdelay $0x1  }
0x5b: {  	s16 =	sadd.s32 s13, s16  }
0x5c: {  	s16 =	sshrl.u32 s16, $0x3  }
0x5d: {  	s17 =	sadd.s32 s9, s16  }
0x5e: {  	[tilespmem:s26], [sflag:$0x3] =	stream.linear.gather [hbm4b:s17+s14], $0x7D0, $0x38;
	[tilespmem:$0x1F480] =	vst v63  }
0x5f: {  	_ =	swait.ge [sflag:s23], $0x7D0  }
0x60: {  	[sflag:s23] =	ssyncset.done $0x0  }
0x61: {  	s22 =	sadd.s32 s10, s16;
	[sflag:s23] =	ssyncadd.s32 $0xFFFFF830  }
0x62: {  	[tilespmem:s28], [sflag:$0x3] =	stream.linear.gather [hbm4b:s22+s14], $0x7D0, $0x38;
	[tilespmem:$0x1F480] =	vst v63  }
0x63: {  	_ =	swait.ge [sflag:s23], $0x7D0  }
0x64: {  	[sflag:s23] =	ssyncset.done $0x0  }
0x65: {  	[sflag:s23] =	ssyncadd.s32 $0xFFFFF830  }
0x66: {  	s1 =	rddreg [dreg:$0x1]  }
0x67: {  	s16 =	sadd.s32 s1, s16  }
0x68: {  	[tilespmem:s29], [sflag:$0x3] =	stream.linear.gather [hbm4b:s16+s14], $0x7D0, $0x38;
	[tilespmem:$0x1F480] =	vst v63  }
0x69: {  	_ =	swait.ge [sflag:s23], $0x7D0  }
0x6a: {  	[sflag:s23] =	ssyncset.done $0x0  }
0x6b: {  	s16 =	simm.s32 $0x0;
	[sflag:s23] =	ssyncadd.s32 $0xFFFFF830  }
.LBB2_7:
0x6c: {  	s17 =	smul.u32 $0x50, s16;
	_ =	sdelay $0x1  }
0x6d: {  	s18 =	sadd.s32 $0x2800, s17  }
0x6e: {  	[tilespmem:s25], [sflag:$0x1] =	stream.indirect.gather [hbm4b:s5+s30], $0x80, s18, s30, $0xb8;
	[tilespmem:$0x1F480] =	vst v63  }
0x6f: {  	s1 =	sadd.s32 $0x3800, s17  }
0x70: {  	[tilespmem:s31], [sflag:$0x2] =	stream.indirect.gather [hbm4b:s8+s30], $0x80, s1, s30, $0xb8;
	[tilespmem:$0x1F480] =	vst v63  }
0x71: {  	v1 =	vld [tilespmem:s17+$0x2800]  }
0x72: {  	v2 =	vld [tilespmem:s17+$0x3800];
	_ =	sdelay $0x6  }
0x73: {  	v1 =	vld.idx.msk [tilespmem:v1+s4+$0x0], $0xffff  }
0x74: {  	v2 =	vld.idx.msk [tilespmem:v2+s24+$0x0], $0xffff;
	_ =	sdelay $0x4  }
0x75: {  	v1 =	vadd.f32 v2, v1;
	_ =	sdelay $0x1  }
0x76: {  	v1 =	vmul.f32 $1.442695020e+00, v1;
	_ =	sdelay $0x1  }
0x77: {  	(erf) = vpow2.f32 v1;
	_ =	sdelay $0x2  }
0x78: {  	v1 =	vld [tilespmem:s17+$0x3000];
	_ =	sdelay $0x5  }
0x79: {  	[tilespmem:$0x4000] =	vst v1;
	v2 =	vpop (erf)  }
0x7a: {  	[tilespmem:$0x4080] =	vst v2  }
0x7b: {  	[tilespmem:v1+s0+$0x0] =	vst.idx.add.f32.msk $0xffff, v2  }
0x7c: {  	v1 =	vld [tilespmem:s17+$0x2810]  }
0x7d: {  	v2 =	vld [tilespmem:s17+$0x3810];
	_ =	sdelay $0x6  }
0x7e: {  	v1 =	vld.idx.msk [tilespmem:v1+s4+$0x0], $0xffff  }
0x7f: {  	v2 =	vld.idx.msk [tilespmem:v2+s24+$0x0], $0xffff;
	_ =	sdelay $0x4  }
0x80: {  	v1 =	vadd.f32 v2, v1;
	_ =	sdelay $0x1  }
0x81: {  	v1 =	vmul.f32 $1.442695020e+00, v1;
	_ =	sdelay $0x1  }
0x82: {  	(erf) = vpow2.f32 v1;
	_ =	sdelay $0x2  }
0x83: {  	v1 =	vld [tilespmem:s17+$0x3010];
	_ =	sdelay $0x5  }
0x84: {  	[tilespmem:$0x4010] =	vst v1;
	v2 =	vpop (erf)  }
0x85: {  	[tilespmem:$0x4090] =	vst v2  }
0x86: {  	[tilespmem:v1+s0+$0x0] =	vst.idx.add.f32.msk $0xffff, v2  }
0x87: {  	v1 =	vld [tilespmem:s17+$0x2820]  }
0x88: {  	v2 =	vld [tilespmem:s17+$0x3820];
	_ =	sdelay $0x6  }
0x89: {  	v1 =	vld.idx.msk [tilespmem:v1+s4+$0x0], $0xffff  }
0x8a: {  	v2 =	vld.idx.msk [tilespmem:v2+s24+$0x0], $0xffff;
	_ =	sdelay $0x4  }
0x8b: {  	v1 =	vadd.f32 v2, v1;
	_ =	sdelay $0x1  }
0x8c: {  	v1 =	vmul.f32 $1.442695020e+00, v1;
	_ =	sdelay $0x1  }
0x8d: {  	(erf) = vpow2.f32 v1;
	_ =	sdelay $0x2  }
0x8e: {  	v1 =	vld [tilespmem:s17+$0x3020];
	_ =	sdelay $0x5  }
0x8f: {  	[tilespmem:$0x4020] =	vst v1;
	v2 =	vpop (erf)  }
0x90: {  	[tilespmem:$0x40A0] =	vst v2  }
0x91: {  	[tilespmem:v1+s0+$0x0] =	vst.idx.add.f32.msk $0xffff, v2  }
0x92: {  	v1 =	vld [tilespmem:s17+$0x2830]  }
0x93: {  	v2 =	vld [tilespmem:s17+$0x3830];
	_ =	sdelay $0x6  }
0x94: {  	v1 =	vld.idx.msk [tilespmem:v1+s4+$0x0], $0xffff  }
0x95: {  	v2 =	vld.idx.msk [tilespmem:v2+s24+$0x0], $0xffff;
	_ =	sdelay $0x4  }
0x96: {  	v1 =	vadd.f32 v2, v1;
	_ =	sdelay $0x1  }
0x97: {  	v1 =	vmul.f32 $1.442695020e+00, v1;
	_ =	sdelay $0x1  }
0x98: {  	(erf) = vpow2.f32 v1;
	_ =	sdelay $0x2  }
0x99: {  	v1 =	vld [tilespmem:s17+$0x3030];
	_ =	sdelay $0x5  }
0x9a: {  	[tilespmem:$0x4030] =	vst v1;
	v2 =	vpop (erf)  }
0x9b: {  	[tilespmem:$0x40B0] =	vst v2  }
0x9c: {  	[tilespmem:v1+s0+$0x0] =	vst.idx.add.f32.msk $0xffff, v2  }
0x9d: {  	v1 =	vld [tilespmem:s17+$0x2840]  }
0x9e: {  	v2 =	vld [tilespmem:s17+$0x3840];
	_ =	sdelay $0x6  }
0x9f: {  	v1 =	vld.idx.msk [tilespmem:v1+s4+$0x0], $0xffff  }
0xa0: {  	v2 =	vld.idx.msk [tilespmem:v2+s24+$0x0], $0xffff;
	_ =	sdelay $0x4  }
0xa1: {  	v1 =	vadd.f32 v2, v1;
	_ =	sdelay $0x1  }
0xa2: {  	v1 =	vmul.f32 $1.442695020e+00, v1;
	_ =	sdelay $0x1  }
0xa3: {  	(erf) = vpow2.f32 v1;
	_ =	sdelay $0x2  }
0xa4: {  	v1 =	vld [tilespmem:s17+$0x3040];
	_ =	sdelay $0x5  }
0xa5: {  	[tilespmem:$0x4040] =	vst v1;
	v2 =	vpop (erf)  }
0xa6: {  	[tilespmem:$0x40C0] =	vst v2  }
0xa7: {  	[tilespmem:v1+s0+$0x0] =	vst.idx.add.f32.msk $0xffff, v2  }
0xa8: {  	_ =	swait.ge [sflag:s3], $0x2800  }
0xa9: {  	[sflag:s3] =	ssyncset.done $0x0  }
0xaa: {  	[sflag:s3] =	ssyncadd.s32 $0xFFFFD800  }
0xab: {  	_ =	swait.ge [sflag:s6], $0x2800  }
0xac: {  	[sflag:s6] =	ssyncset.done $0x0  }
0xad: {  	s18 =	simm.s32 $0x6A00;
	[sflag:s6] =	ssyncadd.s32 $0xFFFFD800  }
0xae: {  	s19 =	simm.s32 $0x0;
	s17 =	simm.s32 $0x4200;
	v1 =	vld [tilespmem:s18+$0xFFFFFF00]  }
0xaf: {  	s20 =	sand.u32 $0x70, s19;
	v2 =	vld [tilespmem:s17+$0xFFFFFF00]  }
0xb0: {  	v4 =	vld [tilespmem:s20+$0x4080];
	_ =	sdelay $0x2  }
0xb1: {  	s11 =	sand.u32 $0xC, s19  }
0xb2: {  	v3 =	vmov s11;
	v5 =	vld [tilespmem:s18+$0x0]  }
0xb3: {  	v6 =	vld [tilespmem:s17+$0x0];
	v2 =	vadd.f32 v1, v2;
	v1 =	vperm.xlane v4, v3  }
0xb4: {  	v7 =	vld [tilespmem:s17+$0xFFFFFF80]  }
0xb5: {  	s12 =	simm.s32 $0x2;
	v3 =	vld [tilespmem:s18+$0xFFFFFF80];
	v2 =	vmul.f32 v2, v1  }
0xb6: {  	v8 =	vld [tilespmem:s17+$0xFFFFFF10];
	s20 =	sand.u32 $0xE, s12  }
0xb7: {  	s21 =	simm.s32 $0x1;
	v10 =	vld [tilespmem:s17+$0x80];
	v9 =	vmov s20;
	[tilespmem:s17+$0xFFFFFF00] =	vst v2  }
0xb8: {  	s21 =	sand.u32 $0xD, s21;
	v5 =	vadd.f32 v5, v6;
	v2 =	vperm.xlane v4, v9;
	v6 =	vld [tilespmem:s18+$0xFFFFFF10]  }
0xb9: {  	v11 =	vld [tilespmem:s18+$0x80];
	v9 =	vmov s21  }
0xba: {  	v7 =	vadd.f32 v3, v7;
	v3 =	vperm.xlane v4, v9;
	v5 =	vmul.f32 v5, v2;
	_ =	sdelay $0x1  }
0xbb: {  	s22 =	simm.s32 $0x3;
	v9 =	vld [tilespmem:s17+$0x10];
	v7 =	vmul.f32 v7, v3;
	[tilespmem:s17+$0x0] =	vst v5  }
0xbc: {  	v5 =	vadd.f32 v6, v8;
	v6 =	vld [tilespmem:s18+$0x10];
	v8 =	vmov s22  }
0xbd: {  	v12 =	vld [tilespmem:s17+$0xFFFFFF90];
	[tilespmem:s17+$0xFFFFFF80] =	vst v7;
	v7 =	vadd.f32 v11, v10;
	v4 =	vperm.xlane v4, v8  }
0xbe: {  	v10 =	vld [tilespmem:s17+$0xFFFFFF20];
	v5 =	vmul.f32 v5, v1  }
0xbf: {  	v8 =	vld [tilespmem:s18+$0xFFFFFF90];
	v7 =	vmul.f32 v7, v4  }
0xc0: {  	v11 =	vld [tilespmem:s17+$0x90];
	[tilespmem:s17+$0xFFFFFF10] =	vst v5  }
0xc1: {  	v5 =	vld [tilespmem:s18+$0xFFFFFF20];
	v6 =	vadd.f32 v6, v9;
	[tilespmem:s17+$0x80] =	vst v7  }
0xc2: {  	v7 =	vld [tilespmem:s18+$0x90]  }
0xc3: {  	v6 =	vmul.f32 v6, v2  }
0xc4: {  	v14 =	vld [tilespmem:s17+$0xFFFFFFB0];
	v8 =	vadd.f32 v8, v12  }
0xc5: {  	v9 =	vld [tilespmem:s17+$0x20];
	[tilespmem:s17+$0x10] =	vst v6  }
0xc6: {  	v6 =	vmul.f32 v8, v3;
	v5 =	vadd.f32 v5, v10;
	v8 =	vld [tilespmem:s18+$0x20]  }
0xc7: {  	v12 =	vld [tilespmem:s17+$0xA0];
	v7 =	vadd.f32 v7, v11  }
0xc8: {  	v10 =	vld [tilespmem:s17+$0xFFFFFFA0];
	[tilespmem:s17+$0xFFFFFF90] =	vst v6;
	v5 =	vmul.f32 v5, v1  }
0xc9: {  	v11 =	vld [tilespmem:s18+$0xFFFFFFA0];
	v7 =	vmul.f32 v7, v4  }
0xca: {  	v6 =	vld [tilespmem:s17+$0xFFFFFF30];
	[tilespmem:s17+$0xFFFFFF20] =	vst v5  }
0xcb: {  	v13 =	vld [tilespmem:s18+$0xFFFFFF30];
	v5 =	vadd.f32 v8, v9;
	[tilespmem:s17+$0x90] =	vst v7  }
0xcc: {  	v9 =	vld [tilespmem:s18+$0xA0]  }
0xcd: {  	v17 =	vld [tilespmem:s17+$0xC0];
	v7 =	vmul.f32 v5, v2  }
0xce: {  	v8 =	vld [tilespmem:s17+$0x30];
	v10 =	vadd.f32 v11, v10  }
0xcf: {  	v5 =	vld [tilespmem:s17+$0xF0];
	[tilespmem:s17+$0x20] =	vst v7  }
0xd0: {  	v10 =	vmul.f32 v10, v3;
	v11 =	vadd.f32 v13, v6;
	v13 =	vld [tilespmem:s18+$0x30]  }
0xd1: {  	v7 =	vld [tilespmem:s17+$0xE0];
	v9 =	vadd.f32 v9, v12  }
0xd2: {  	[tilespmem:s17+$0xFFFFFFA0] =	vst v10;
	v12 =	vld [tilespmem:s17+$0xB0];
	v11 =	vmul.f32 v11, v1  }
0xd3: {  	v10 =	vld [tilespmem:s18+$0xFFFFFFB0];
	v9 =	vmul.f32 v9, v4  }
0xd4: {  	[tilespmem:s17+$0xFFFFFF30] =	vst v11;
	v11 =	vld [tilespmem:s17+$0xFFFFFF40]  }
0xd5: {  	v8 =	vadd.f32 v13, v8;
	v13 =	vld [tilespmem:s18+$0xFFFFFF40];
	[tilespmem:s17+$0xA0] =	vst v9  }
0xd6: {  	v15 =	vld [tilespmem:s18+$0xB0]  }
0xd7: {  	v6 =	vld [tilespmem:s17+$0xFFFFFF70]  }
0xd8: {  	v9 =	vld [tilespmem:s17+$0x60];
	v16 =	vmul.f32 v8, v2  }
0xd9: {  	v10 =	vadd.f32 v10, v14;
	v8 =	vld [tilespmem:s17+$0xFFFFFF60]  }
0xda: {  	[tilespmem:s17+$0x30] =	vst v16;
	v16 =	vld [tilespmem:s17+$0x40];
	v11 =	vadd.f32 v13, v11  }
0xdb: {  	v14 =	vmul.f32 v10, v3;
	v13 =	vld [tilespmem:s18+$0x40];
	v12 =	vadd.f32 v15, v12  }
0xdc: {  	v10 =	vld [tilespmem:s17+$0xD0];
	v11 =	vmul.f32 v11, v1  }
0xdd: {  	[tilespmem:s17+$0xFFFFFFB0] =	vst v14;
	v14 =	vld [tilespmem:s17+$0xFFFFFFC0];
	v12 =	vmul.f32 v12, v4  }
0xde: {  	v15 =	vld [tilespmem:s18+$0xFFFFFFC0];
	[tilespmem:s17+$0xFFFFFF40] =	vst v11  }
0xdf: {  	v11 =	vld [tilespmem:s18+$0xFFFFFF50];
	[tilespmem:s17+$0xB0] =	vst v12  }
0xe0: {  	v13 =	vadd.f32 v13, v16;
	v19 =	vld [tilespmem:s18+$0xC0]  }
0xe1: {  	v12 =	vld [tilespmem:s17+$0xFFFFFFE0]  }
0xe2: {  	v16 =	vmul.f32 v13, v2;
	v13 =	vld [tilespmem:s17+$0xFFFFFF50]  }
0xe3: {  	v18 =	vadd.f32 v15, v14;
	v14 =	vld [tilespmem:s17+$0xFFFFFFD0]  }
0xe4: {  	v15 =	vld [tilespmem:s17+$0x50];
	[tilespmem:s17+$0x40] =	vst v16  }
0xe5: {  	s20 =	simm.s32 $0x6C00;
	s21 =	simm.s32 $0x4200;
	v18 =	vmul.f32 v18, v3;
	v16 =	vld [tilespmem:s18+$0x50];
	v17 =	vadd.f32 v19, v17  }
.LBB2_8:
0xe6: {  	s22 =	sadd.s32 $0x5, s19  }
0xe7: {  	v19 =	vld [tilespmem:s20+$0xFFFFFF80];
	[tilespmem:s17+$0xFFFFFFC0] =	vst v18;
	s21 =	sadd.s32 $0x200, s21;
	s11 =	smov.u32 s19;
	s19 =	sadd.s32 $0x4, s19  }
0xe8: {  	s12 =	sand.u32 $0x70, s19;
	s1 =	sand.u32 $0xC, s19;
	s22 =	sand.u32 $0xD, s22;
	v18 =	vld [tilespmem:s18+$0xFFFFFFD0];
	v17 =	vmul.f32 v17, v4  }
0xe9: {  	p0 =	slt.u32 s19, $0x4C;
	v20 =	vmov s1;
	v21 =	vmov s22;
	v22 =	vld [tilespmem:s21+$0x80]  }
0xea: {  	v23 =	vld [tilespmem:s20+$0x80];
	[tilespmem:s17+$0xC0] =	vst v17  }
0xeb: {  	v17 =	vld [tilespmem:s20+$0xFFFFFF00];
	v15 =	vadd.f32 v16, v15  }
0xec: {  	v16 =	vld [tilespmem:s20+$0x0]  }
0xed: {  	v24 =	vld [tilespmem:s21+$0x0];
	v14 =	vadd.f32 v18, v14;
	v15 =	vmul.f32 v15, v2  }
0xee: {  	v18 =	vld [tilespmem:s21+$0xFFFFFF00]  }
0xef: {  	v25 =	vld [tilespmem:s12+$0x4080];
	v14 =	vmul.f32 v14, v3;
	[tilespmem:s17+$0x50] =	vst v15  }
0xf0: {  	s1 =	sadd.s32 $0x6, s11;
	v15 =	vld [tilespmem:s21+$0xFFFFFF80]  }
0xf1: {  	s1 =	sand.u32 $0xE, s1;
	v26 =	vld [tilespmem:s21+$0xFFFFFF10];
	[tilespmem:s17+$0xFFFFFFD0] =	vst v14  }
0xf2: {  	v22 =	vadd.f32 v23, v22;
	v14 =	vmov s1;
	v16 =	vadd.f32 v16, v24;
	v24 =	vld [tilespmem:s21+$0x10]  }
0xf3: {  	v11 =	vadd.f32 v11, v13;
	v17 =	vadd.f32 v17, v18;
	v13 =	vld [tilespmem:s18+$0xFFFFFFE0]  }
0xf4: {  	s1 =	sadd.s32 $0x7, s11;
	v18 =	vperm.xlane v25, v20;
	v14 =	vperm.xlane v25, v14;
	v20 =	vld [tilespmem:s18+$0x60]  }
0xf5: {  	v23 =	vmul.f32 v11, v1;
	v15 =	vadd.f32 v19, v15;
	v19 =	vmov s1;
	v27 =	vld [tilespmem:s18+$0xD0]  }
0xf6: {  	v17 =	vmul.f32 v17, v18;
	v28 =	vld [tilespmem:s21+$0xFFFFFF90];
	v16 =	vmul.f32 v16, v14  }
0xf7: {  	v11 =	vperm.xlane v25, v19;
	v19 =	vld [tilespmem:s21+$0x90];
	[tilespmem:s17+$0xFFFFFF50] =	vst v23  }
0xf8: {  	[tilespmem:s21+$0xFFFFFF00] =	vst v17;
	v17 =	vperm.xlane v25, v21;
	v21 =	vld [tilespmem:s18+$0xFFFFFF60];
	v12 =	vadd.f32 v13, v12  }
0xf9: {  	v22 =	vmul.f32 v22, v11;
	v13 =	vld [tilespmem:s20+$0xFFFFFF10];
	v9 =	vadd.f32 v20, v9  }
0xfa: {  	v15 =	vmul.f32 v15, v17;
	v12 =	vmul.f32 v12, v3;
	v20 =	vld [tilespmem:s17+$0x70];
	v10 =	vadd.f32 v27, v10  }
0xfb: {  	[tilespmem:s21+$0x0] =	vst v16;
	v16 =	vld [tilespmem:s17+$0xFFFFFFF0];
	v9 =	vmul.f32 v9, v2  }
0xfc: {  	[tilespmem:s21+$0xFFFFFF80] =	vst v15;
	v15 =	vld [tilespmem:s21+$0x20];
	v10 =	vmul.f32 v10, v4  }
0xfd: {  	v23 =	vld [tilespmem:s20+$0xFFFFFF90];
	v8 =	vadd.f32 v21, v8;
	[tilespmem:s17+$0xFFFFFFE0] =	vst v12  }
0xfe: {  	v12 =	vadd.f32 v13, v26;
	v13 =	vld [tilespmem:s20+$0x10];
	[tilespmem:s17+$0x60] =	vst v9  }
0xff: {  	v8 =	vmul.f32 v8, v1;
	v9 =	vld [tilespmem:s18+$0xFFFFFFF0];
	[tilespmem:s17+$0xD0] =	vst v10  }
0x100: {  	v10 =	vmul.f32 v12, v18;
	v12 =	vld [tilespmem:s18+$0x70]  }
0x101: {  	v21 =	vld [tilespmem:s21+$0xFFFFFF20];
	[tilespmem:s17+$0xFFFFFF60] =	vst v8  }
0x102: {  	[tilespmem:s21+$0xFFFFFF10] =	vst v10;
	v8 =	vadd.f32 v23, v28;
	v10 =	vld [tilespmem:s21+$0xFFFFFFA0]  }
0x103: {  	v23 =	vld [tilespmem:s20+$0xFFFFFF20];
	v13 =	vadd.f32 v13, v24;
	[tilespmem:s21+$0x80] =	vst v22  }
0x104: {  	v8 =	vmul.f32 v8, v17;
	v22 =	vld [tilespmem:s20+$0x90];
	v9 =	vadd.f32 v9, v16  }
0x105: {  	v13 =	vmul.f32 v13, v14;
	v12 =	vadd.f32 v12, v20;
	v16 =	vld [tilespmem:s18+$0xE0]  }
0x106: {  	[tilespmem:s21+$0xFFFFFF90] =	vst v8;
	v8 =	vld [tilespmem:s18+$0xFFFFFF70];
	v9 =	vmul.f32 v9, v3;
	v3 =	vmov v17  }
0x107: {  	v17 =	vld [tilespmem:s21+$0xFFFFFF30];
	[tilespmem:s21+$0x10] =	vst v13;
	v12 =	vmul.f32 v12, v2;
	v2 =	vmov v14  }
0x108: {  	v13 =	vadd.f32 v23, v21;
	v14 =	vld [tilespmem:s21+$0x30];
	[tilespmem:s17+$0xFFFFFFF0] =	vst v9  }
0x109: {  	v9 =	vld [tilespmem:s20+$0x20];
	v19 =	vadd.f32 v22, v19;
	[tilespmem:s17+$0x70] =	vst v12  }
0x10a: {  	v12 =	vmul.f32 v13, v18;
	v13 =	vld [tilespmem:s21+$0xA0];
	v7 =	vadd.f32 v16, v7  }
0x10b: {  	v16 =	vld [tilespmem:s20+$0xFFFFFFA0];
	v19 =	vmul.f32 v19, v11;
	v6 =	vadd.f32 v8, v6  }
0x10c: {  	[tilespmem:s21+$0xFFFFFF20] =	vst v12;
	v12 =	vld [tilespmem:s21+$0xFFFFFFB0];
	v7 =	vmul.f32 v7, v4  }
0x10d: {  	v8 =	vld [tilespmem:s20+$0xFFFFFF30];
	[tilespmem:s21+$0x90] =	vst v19;
	v6 =	vmul.f32 v6, v1;
	v1 =	vmov v18  }
0x10e: {  	v9 =	vadd.f32 v9, v15;
	v15 =	vld [tilespmem:s20+$0xA0];
	[tilespmem:s17+$0xE0] =	vst v7  }
0x10f: {  	[tilespmem:s17+$0xFFFFFF70] =	vst v6;
	v18 =	vld [tilespmem:s18+$0xF0];
	s18 =	smov.u32 s20  }
0x110: {  	v7 =	vadd.f32 v16, v10;
	v9 =	vmul.f32 v9, v2;
	v10 =	vld [tilespmem:s21+$0xF0]  }
0x111: {  	v6 =	vld [tilespmem:s21+$0xFFFFFF70]  }
0x112: {  	v8 =	vadd.f32 v8, v17;
	v16 =	vmul.f32 v7, v3;
	[tilespmem:s21+$0x20] =	vst v9;
	v7 =	vld [tilespmem:s21+$0xE0]  }
0x113: {  	v9 =	vld [tilespmem:s20+$0x30];
	v13 =	vadd.f32 v15, v13  }
0x114: {  	v8 =	vmul.f32 v8, v1;
	[tilespmem:s21+$0xFFFFFFA0] =	vst v16;
	v15 =	vld [tilespmem:s21+$0xB0];
	v16 =	vadd.f32 v18, v5  }
0x115: {  	v17 =	vld [tilespmem:s20+$0xFFFFFFB0];
	v13 =	vmul.f32 v13, v11;
	v5 =	vmov v10  }
0x116: {  	[tilespmem:s21+$0xFFFFFF30] =	vst v8;
	v18 =	vld [tilespmem:s21+$0xFFFFFF40];
	v8 =	vmul.f32 v16, v4;
	v4 =	vmov v11  }
0x117: {  	v11 =	vld [tilespmem:s20+$0xFFFFFF40];
	[tilespmem:s21+$0xA0] =	vst v13  }
0x118: {  	v9 =	vadd.f32 v9, v14;
	v13 =	vld [tilespmem:s20+$0xB0];
	[tilespmem:s17+$0xF0] =	vst v8;
	s17 =	smov.u32 s21  }
0x119: {  	v8 =	vld [tilespmem:s21+$0xFFFFFF60]  }
0x11a: {  	v12 =	vadd.f32 v17, v12;
	v14 =	vmul.f32 v9, v2;
	v10 =	vld [tilespmem:s21+$0xD0]  }
0x11b: {  	v9 =	vld [tilespmem:s21+$0x60]  }
0x11c: {  	v11 =	vadd.f32 v11, v18;
	v12 =	vmul.f32 v12, v3;
	[tilespmem:s21+$0x30] =	vst v14;
	v14 =	vld [tilespmem:s21+$0x40]  }
0x11d: {  	v16 =	vld [tilespmem:s20+$0x40];
	v13 =	vadd.f32 v13, v15  }
0x11e: {  	v11 =	vmul.f32 v11, v1;
	[tilespmem:s21+$0xFFFFFFB0] =	vst v12;
	v15 =	vld [tilespmem:s21+$0xFFFFFFC0]  }
0x11f: {  	v17 =	vld [tilespmem:s20+$0xFFFFFFC0];
	v12 =	vmul.f32 v13, v4  }
0x120: {  	[tilespmem:s21+$0xFFFFFF40] =	vst v11;
	v19 =	vld [tilespmem:s21+$0xC0]  }
0x121: {  	v11 =	vld [tilespmem:s20+$0xFFFFFF50];
	[tilespmem:s21+$0xB0] =	vst v12  }
0x122: {  	v14 =	vadd.f32 v16, v14;
	v20 =	vld [tilespmem:s20+$0xC0]  }
.Ltmp2:
0x123: {  	v12 =	vld [tilespmem:s21+$0xFFFFFFE0];
	(pc) =	sbr.rel @p0 .LBB2_8-.Ltmp2, $4  }
0x124: {  	v13 =	vld [tilespmem:s21+$0xFFFFFF50];
	v15 =	vadd.f32 v17, v15;
	v16 =	vmul.f32 v14, v2  }
0x125: {  	v14 =	vld [tilespmem:s21+$0xFFFFFFD0]  }
0x126: {  	v18 =	vmul.f32 v15, v3;
	[tilespmem:s21+$0x40] =	vst v16;
	v15 =	vld [tilespmem:s21+$0x50]  }
0x127: {  	s20 =	sadd.s32 $0x200, s20;
	v16 =	vld [tilespmem:s18+$0x50];
	v17 =	vadd.f32 v20, v19  }
0x128: {  	_ = 	snop  }
0x129: {  	v17 =	vmul.f32 v17, v4  }
0x12a: {  	[tilespmem:s17+$0xFFFFFFC0] =	vst v18  }
0x12b: {  	v18 =	vld [tilespmem:s18+$0xFFFFFFD0];
	[tilespmem:s17+$0xC0] =	vst v17  }
0x12c: {  	v17 =	vld [tilespmem:s18+$0xD0];
	_ =	sdelay $0x1  }
0x12d: {  	v11 =	vadd.f32 v11, v13  }
0x12e: {  	v15 =	vadd.f32 v16, v15  }
0x12f: {  	v11 =	vmul.f32 v11, v1;
	v14 =	vadd.f32 v18, v14  }
0x130: {  	v57 =	vmul.f32 v15, v2;
	v10 =	vadd.f32 v17, v10  }
0x131: {  	[tilespmem:s17+$0xFFFFFF50] =	vst v11;
	v14 =	vmul.f32 v14, v3  }
0x132: {  	v11 =	vld [tilespmem:s18+$0xFFFFFF60];
	[tilespmem:s17+$0x50] =	vst v57;
	v10 =	vmul.f32 v10, v4  }
0x133: {  	v59 =	vld [tilespmem:s18+$0x60];
	[tilespmem:s17+$0xFFFFFFD0] =	vst v14  }
0x134: {  	v58 =	vld [tilespmem:s18+$0xFFFFFFE0];
	[tilespmem:s17+$0xD0] =	vst v10  }
0x135: {  	v10 =	vld [tilespmem:s18+$0xE0];
	_ =	sdelay $0x1  }
0x136: {  	v8 =	vadd.f32 v11, v8  }
0x137: {  	v9 =	vadd.f32 v59, v9  }
0x138: {  	v8 =	vmul.f32 v8, v1;
	v12 =	vadd.f32 v58, v12  }
0x139: {  	v60 =	vld [tilespmem:s17+$0xFFFFFFF0];
	v9 =	vmul.f32 v9, v2;
	v7 =	vadd.f32 v10, v7  }
0x13a: {  	v61 =	vld [tilespmem:s17+$0x70];
	[tilespmem:s17+$0xFFFFFF60] =	vst v8;
	v12 =	vmul.f32 v12, v3  }
0x13b: {  	v8 =	vld [tilespmem:s18+$0xFFFFFF70];
	[tilespmem:s17+$0x60] =	vst v9;
	v7 =	vmul.f32 v7, v4  }
0x13c: {  	v63 =	vld [tilespmem:s18+$0x70];
	[tilespmem:s17+$0xFFFFFFE0] =	vst v12  }
0x13d: {  	v62 =	vld [tilespmem:s18+$0xFFFFFFF0];
	[tilespmem:s17+$0xE0] =	vst v7  }
0x13e: {  	v7 =	vld [tilespmem:s18+$0xF0];
	_ =	sdelay $0x1  }
0x13f: {  	v6 =	vadd.f32 v8, v6  }
0x140: {  	v10 =	vadd.f32 v63, v61  }
0x141: {  	v1 =	vmul.f32 v6, v1;
	v9 =	vadd.f32 v62, v60  }
0x142: {  	v2 =	vmul.f32 v10, v2;
	v5 =	vadd.f32 v7, v5  }
0x143: {  	[tilespmem:s17+$0xFFFFFF70] =	vst v1;
	v3 =	vmul.f32 v9, v3  }
0x144: {  	s16 =	sadd.s32 $0x1, s16;
	[tilespmem:s17+$0x70] =	vst v2;
	v2 =	vmul.f32 v5, v4  }
0x145: {  	p0 =	sne.s32 s16, $0x19;
	[tilespmem:s17+$0xFFFFFFF0] =	vst v3  }
.Ltmp3:
0x146: {  	[tilespmem:s17+$0xF0] =	vst v2;
	(pc) =	sbr.rel @p0 .LBB2_7-.Ltmp3, $4  }
0x147: {  	[spmem:s2] =	stream.indirect.scatter.add.f32 [tilespmem:s25], [sflag:$0x3], $0x80, s7, s30, $0xb8;
	[tilespmem:$0x1F480] =	vst v63  }
0x148: {  	_ =	swait.ge [sflag:s23], $0x2800  }
0x149: {  	[sflag:s23] =	ssyncset.done $0x0  }
0x14a: {  	[sflag:s23] =	ssyncadd.s32 $0xFFFFD800  }
0x14b: {  	s15 =	sadd.s32 $0x1, s15  }
0x14c: {  	p0 =	sne.s32 s15, $0x5  }
.Ltmp4:
0x14d: {  	_ = 	snop;
	(pc) =	sbr.rel @p0 .LBB2_6-.Ltmp4, $1  }
0x14e: {  	_ =	sdelay $0x3  }
0x14f: {  	s1 =	stileid.u32;
	[bflag:$0x0] =	sbarrier.arrive $0xFFFF  }
0x150: {  	s1 =	sshll.u32 s1, $0x6;
	s16 =	rddreg [dreg:$0x7]  }
0x151: {  	s12 =	rddreg [dreg:$0x9];
	s1 =	sor.u32 $0x1C03, s1;
	s11 =	sshrl.u32 s16, $0x3  }
0x152: {  	[hbm:s12], [sflag:s1] =	dma.local [spmem:s11], $0x2780  }
0x153: {  	_ =	swait.ge [sflag:s23], $0x2780  }
0x154: {  	s19 =	simm.s32 $0x80;
	[sflag:s23] =	ssyncset.done $0x0  }
0x155: {  	s20 =	simm.s32 $0x400;
	s18 =	rddreg [dreg:$0xa];
	[sflag:s23] =	ssyncadd.s32 $0xFFFFD880  }
0x156: {  	[hbm4b:s18+s19] =	stream.strided.scatter [tilespmem:s0], [sflag:$0x3], $0x2780, s20, s19, $0x38;
	[tilespmem:$0x1F480] =	vst v63  }
0x157: {  	_ =	swait.ge [sflag:s23], $0x2780  }
0x158: {  	s21 =	rddreg [dreg:$0x12]  }
0x159: {  	s22 =	rddreg [dreg:$0xb];
	s11 =	sadd.s32 $0x1, s21  }
0x15a: {  	p0 =	sne.s32 s11, s22  }
.Ltmp5:
0x15b: {  	_ = 	snop;
	(pc) =	sbr.rel @p0 .LBB2_1-.Ltmp5, $3  }
0x15c: {  	_ =	sdelay $0x1  }
0x15d: {  	[sflag:s23] =	ssyncset.done $0x0  }
0x15e: {  	[sflag:s23] =	ssyncadd.s32 $0xFFFFD880  }
0x15f: {  	_ =	sfence.sel $0x180000  }
0x160: {  	[bflag:$0x0] =	sbarrier.arrive $0xFFFF  }
0x161: {  	_ =	strace $0x90000047  }
0x162: {  	s0 =	stileid.u32;
	[bflag:$0x2] =	sbarrier.arrive $0xFFFF  }
0x163: {  	p0 =	sne.s32 s0, $0x0;
	s0 =	rddreg [dreg:$0x4]  }
0x164: {  	s0 =	sadd.s32 @!p0 $0x100000, s0  }
0x165: {  	[sflag:s0] =	ssyncadd.tile.s32 @!p0 $0x1;
	_ =	shalt  }
.Lfunc_end2:
_tile_overlayer_lowered:
.L_overlay_start_2:
0x166: {  	(tag) =	ssettag $0x2  }
0x167: {  	s0 =	rddreg [dreg:$0x0];
	s2 =	stileid.u32  }
0x168: {  	s1 =	rddreg [dreg:$0x1];
	p0 =	sne.s32 s2, $0x0  }
0x169: {  	s3 =	rddreg [dreg:$0x2];
	[bflag:$0x3] =	sbarrier.arrive $0xFFFF;
	s2 =	simm.s32 @!p0 $0x1C03  }
0x16a: {  	[timem:s3], [sflag:s2] =	dma.local @!p0 [hbm:s0], s1  }
0x16b: {  	s0 =	simm.s32 @!p0 $0x3  }
0x16c: {  	_ =	swait.ge @!p0 [sflag:s0], s1  }
0x16d: {  	s1 =	ssub.s32 @!p0 $0x0, s1;
	[sflag:s0] =	ssyncset.done @!p0 $0x0  }
0x16e: {  	[sflag:s0] =	ssyncadd.s32 @!p0 s1  }
0x16f: {  	[bflag:$0x3] =	sbarrier.arrive $0xFFFF  }
0x170: {  	_ =	shalt  }

</sc_bundles>
